<compile_context>
chip_gen: v7x
topology: tpu7x:2x2x1
jax: 0.10.2.dev20260603
libtpu: 0.0.44.dev20260713+nightly
codegen_flags: <defaults>
</compile_context>

<pallas_src>
import functools

import jax
import jax.numpy as jnp
from jax import lax
from jax.experimental import pallas as pl
from jax.experimental.pallas import tpu as pltpu
from jax.experimental.pallas import tpu_sc as plsc

_NBUF = 7
_LEAD = 5


def _scramble_rows(x0f, idx2, n_rows, d, n_workers, rows_per_worker, chunk):
    n_chunks = rows_per_worker // chunk
    n_loop = (n_chunks // _NBUF) * _NBUF
    mesh = plsc.VectorSubcoreMesh(core_axis_name="c", subcore_axis_name="s")

    @functools.partial(
        pl.kernel,
        mesh=mesh,
        out_type=jax.ShapeDtypeStruct((n_rows, d), jnp.float32),
        scratch_types=[
            pltpu.VMEM((rows_per_worker,), jnp.int32),
            pltpu.VMEM((_NBUF, chunk, d), jnp.float32),
        ]
        + [pltpu.SemaphoreType.DMA] * (2 * _NBUF),
    )
    def body(x0_hbm, idx_hbm, out_hbm, idx_v, bufs, *sems):
        gsems = sems[:_NBUF]
        wsems = sems[_NBUF:]
        wid = lax.axis_index("s") * 2 + lax.axis_index("c")
        base = wid * rows_per_worker
        pltpu.sync_copy(idx_hbm.at[wid], idx_v)

        def fire_g(ch, slot):
            pltpu.async_copy(
                x0_hbm.at[idx_v.at[pl.ds(ch * chunk, chunk)]],
                bufs.at[slot],
                gsems[slot],
            )

        def wait_g(slot):
            pltpu.make_async_copy(
                x0_hbm.at[idx_v.at[pl.ds(0, chunk)]],
                bufs.at[slot],
                gsems[slot],
            ).wait()

        def fire_w(ch, slot):
            pltpu.async_copy(
                bufs.at[slot],
                out_hbm.at[pl.ds(base + ch * chunk, chunk)],
                wsems[slot],
            )

        def wait_w(slot):
            pltpu.make_async_copy(
                bufs.at[slot],
                out_hbm.at[pl.ds(base, chunk)],
                wsems[slot],
            ).wait()

        for p in range(_LEAD):
            fire_g(p, p)

        def visit(ch, bb):
            wait_g(bb)
            fire_w(ch, bb)
            b2 = (bb + _LEAD) % _NBUF

            @pl.when(jnp.logical_and(ch >= _NBUF - _LEAD, ch + _LEAD < n_chunks))
            def _():
                wait_w(b2)
                fire_g(ch + _LEAD, b2)

            @pl.when(jnp.logical_and(ch < _NBUF - _LEAD, ch + _LEAD < n_chunks))
            def _():
                fire_g(ch + _LEAD, b2)

        def step(i, _):
            for bb in range(_NBUF):
                visit(_NBUF * i + bb, bb)
            return 0

        lax.fori_loop(0, n_loop // _NBUF, step, 0)
        for ch in range(n_loop, n_chunks):
            bb = ch % _NBUF
            wait_g(bb)
            fire_w(ch, bb)
        for bb in range(_NBUF):
            wait_w(bb)

    return body(x0f, idx2)


def kernel(x0, x1, x2, perm):
    b, s, d = x0.shape
    n = b * s
    n_workers = 32
    rows_per_worker = n // n_workers
    chunk = 8

    x0f = x0.reshape(n, d)
    idx = (
        jnp.arange(b, dtype=jnp.int32)[:, None] * s + perm[None, :].astype(jnp.int32)
    ).reshape(n_workers, rows_per_worker)

    outf = _scramble_rows(x0f, idx, n, d, n_workers, rows_per_worker, chunk)
    return outf.reshape(b, s, d), x1, x2

# --- scband reference (transcript-rebuilt; emitter-appended) ---
"""Pipeline reference for scband-positional-scrambler-19731079758001 (READ-ONLY COPY).

The authoritative reference and input builder live on the scoring server;
editing this copy changes nothing except your own understanding.
"""

import jax, jax.numpy as jnp
import numpy as np

B, S, D = 4, 4096, 2048

def setup_inputs(seed: int = 0) -> dict:
    key = jax.random.key(seed)
    k0, k1, k2, kp = jax.random.split(key, 4)
    x0 = jax.random.normal(k0, (B, S, D), dtype=jnp.float32)
    x1 = jax.random.normal(k1, (B, S), dtype=jnp.float32)
    x2 = jax.random.normal(k2, (B, S), dtype=jnp.float32)
    # state created lazily in torch via torch.randperm(n); materialize here
    perm = jax.random.permutation(kp, S).astype(jnp.int32)
    return {"x0": x0, "x1": x1, "x2": x2, "perm": perm}

def reference(x0, x1, x2, perm):
    # x[0][:, scrambler] -> gather along axis 1 of x0; x1, x2 pass through
    return (jnp.take(x0, perm, axis=1), x1, x2)

if __name__ == "__main__":
    import jax
    _d = setup_inputs()
    print(jax.jit(kernel)(*tuple(_d.values())))

</pallas_src>

<mosaic_0001>
#map = affine_map<(d0, d1) -> (0, 0)>
module attributes {stable_mosaic.version = 14 : i64} {
  func.func @body(%arg0: i32, %arg1: i32, %arg2: memref<16384x2048xf32, #tpu.memory_space<hbm>>, %arg3: memref<32x512xi32, #tpu.memory_space<hbm>>, %arg4: memref<16384x2048xf32, #tpu.memory_space<hbm>>, %arg5: memref<512xi32, #tpu.memory_space<vmem>>, %arg6: memref<7x8x2048xf32, #tpu.memory_space<vmem>>, %arg7: memref<!tpu.dma_semaphore, #tpu.memory_space<semaphore_mem>>, %arg8: memref<!tpu.dma_semaphore, #tpu.memory_space<semaphore_mem>>, %arg9: memref<!tpu.dma_semaphore, #tpu.memory_space<semaphore_mem>>, %arg10: memref<!tpu.dma_semaphore, #tpu.memory_space<semaphore_mem>>, %arg11: memref<!tpu.dma_semaphore, #tpu.memory_space<semaphore_mem>>, %arg12: memref<!tpu.dma_semaphore, #tpu.memory_space<semaphore_mem>>, %arg13: memref<!tpu.dma_semaphore, #tpu.memory_space<semaphore_mem>>, %arg14: memref<!tpu.dma_semaphore, #tpu.memory_space<semaphore_mem>>, %arg15: memref<!tpu.dma_semaphore, #tpu.memory_space<semaphore_mem>>, %arg16: memref<!tpu.dma_semaphore, #tpu.memory_space<semaphore_mem>>, %arg17: memref<!tpu.dma_semaphore, #tpu.memory_space<semaphore_mem>>, %arg18: memref<!tpu.dma_semaphore, #tpu.memory_space<semaphore_mem>>, %arg19: memref<!tpu.dma_semaphore, #tpu.memory_space<semaphore_mem>>, %arg20: memref<!tpu.dma_semaphore, #tpu.memory_space<semaphore_mem>>) attributes {dimension_semantics = [#tpu.dimension_semantics<core_parallel>, #tpu.dimension_semantics<subcore_parallel>], iteration_bounds = array<i64: 2, 16>, scalar_prefetch = 0 : i64, scratch_operands = 16 : i64, tpu.core_type = #tpu.core_type<sc_vector_subcore>, window_params = [{transform_indices = #map}, {transform_indices = #map}, {transform_indices = #map}]} {
    %mul3A = arith.constant 2 : i32
    %mul3A_0 = arith.muli %arg1, %mul3A : i32
    %add3A = arith.addi %mul3A_0, %arg0 : i32
    %mul3A_1 = arith.constant 512 : i32
    %mul3A_2 = arith.muli %add3A, %mul3A_1 : i32
    "tpu.region"() ({
      %run_scoped3A = tpu.sem_alloc : memref<!tpu.dma_semaphore, #tpu.memory_space<semaphore_mem>>
      %dma_start3A_173 = arith.constant 0 : i32
      %dma_start3A_174 = tpu.memref_slice %arg3[%add3A, %dma_start3A_173] : memref<32x512xi32, #tpu.memory_space<hbm>> -> memref<1x512xi32, #tpu.memory_space<hbm>>
      %dma_start3A_175 = tpu.memref_squeeze %dma_start3A_174 : memref<1x512xi32, #tpu.memory_space<hbm>> -> memref<512xi32, #tpu.memory_space<hbm>>
      %dma_start3A_176 = arith.constant 0 : i32
      %dma_start3A_177 = tpu.memref_slice %arg3[%add3A, %dma_start3A_176] : memref<32x512xi32, #tpu.memory_space<hbm>> -> memref<1x512xi32, #tpu.memory_space<hbm>>
      %dma_start3A_178 = tpu.memref_squeeze %dma_start3A_177 : memref<1x512xi32, #tpu.memory_space<hbm>> -> memref<512xi32, #tpu.memory_space<hbm>>
      tpu.enqueue_dma source(%dma_start3A_178 : memref<512xi32, #tpu.memory_space<hbm>>) target(%arg5 : memref<512xi32, #tpu.memory_space<vmem>>) target_semaphore(%run_scoped3A : memref<!tpu.dma_semaphore, #tpu.memory_space<semaphore_mem>>)
      %dma_wait3A_179 = arith.constant 0 : i32
      %dma_wait3A_180 = tpu.memref_slice %arg3[%add3A, %dma_wait3A_179] : memref<32x512xi32, #tpu.memory_space<hbm>> -> memref<1x512xi32, #tpu.memory_space<hbm>>
      %dma_wait3A_181 = tpu.memref_squeeze %dma_wait3A_180 : memref<1x512xi32, #tpu.memory_space<hbm>> -> memref<512xi32, #tpu.memory_space<hbm>>
      %dma_wait3A_182 = arith.constant 0 : i32
      %dma_wait3A_183 = tpu.memref_slice %arg3[%add3A, %dma_wait3A_182] : memref<32x512xi32, #tpu.memory_space<hbm>> -> memref<1x512xi32, #tpu.memory_space<hbm>>
      %dma_wait3A_184 = tpu.memref_squeeze %dma_wait3A_183 : memref<1x512xi32, #tpu.memory_space<hbm>> -> memref<512xi32, #tpu.memory_space<hbm>>
      tpu.wait_dma2 semaphore(%run_scoped3A : memref<!tpu.dma_semaphore, #tpu.memory_space<semaphore_mem>>) src(%dma_wait3A_184 : memref<512xi32, #tpu.memory_space<hbm>>) dst(%arg5 : memref<512xi32, #tpu.memory_space<vmem>>)
      tpu.yield
    }) : () -> ()
    %dma_start3A = arith.constant 0 : i32
    %dma_start3A_3 = arith.constant 0 : i32
    %dma_start3A_4 = arith.constant 0 : i32
    %dma_start3A_5 = tpu.memref_slice %arg6[%dma_start3A, %dma_start3A_3, %dma_start3A_4] : memref<7x8x2048xf32, #tpu.memory_space<vmem>> -> memref<1x8x2048xf32, #tpu.memory_space<vmem>>
    %dma_start3A_6 = tpu.memref_squeeze %dma_start3A_5 : memref<1x8x2048xf32, #tpu.memory_space<vmem>> -> memref<8x2048xf32, #tpu.memory_space<vmem>>
    %dma_start3A_7 = arith.constant 0 : i32
    %dma_start3A_8 = tpu.memref_slice %arg5[%dma_start3A_7] : memref<512xi32, #tpu.memory_space<vmem>> -> memref<8xi32, #tpu.memory_space<vmem>>
    %dma_start3A_9 = arith.constant 0 : i32
    %dma_start3A_10 = arith.constant 0 : i32
    %dma_start3A_11 = tpu.memref_slice %arg2[%dma_start3A_9, %dma_start3A_10] : memref<16384x2048xf32, #tpu.memory_space<hbm>> -> memref<16384x2048xf32, #tpu.memory_space<hbm>>
    tpu.enqueue_indirect_dma source(%dma_start3A_11 : memref<16384x2048xf32, #tpu.memory_space<hbm>>) target(%dma_start3A_6 : memref<8x2048xf32, #tpu.memory_space<vmem>>) offsets(%dma_start3A_8 : memref<8xi32, #tpu.memory_space<vmem>>) semaphore(%arg7 : memref<!tpu.dma_semaphore, #tpu.memory_space<semaphore_mem>>)
    %dma_start3A_12 = arith.constant 1 : i32
    %dma_start3A_13 = arith.constant 0 : i32
    %dma_start3A_14 = arith.constant 0 : i32
    %dma_start3A_15 = tpu.memref_slice %arg6[%dma_start3A_12, %dma_start3A_13, %dma_start3A_14] : memref<7x8x2048xf32, #tpu.memory_space<vmem>> -> memref<1x8x2048xf32, #tpu.memory_space<vmem>>
    %dma_start3A_16 = tpu.memref_squeeze %dma_start3A_15 : memref<1x8x2048xf32, #tpu.memory_space<vmem>> -> memref<8x2048xf32, #tpu.memory_space<vmem>>
    %dma_start3A_17 = arith.constant 8 : i32
    %dma_start3A_18 = tpu.memref_slice %arg5[%dma_start3A_17] : memref<512xi32, #tpu.memory_space<vmem>> -> memref<8xi32, #tpu.memory_space<vmem>>
    %dma_start3A_19 = arith.constant 0 : i32
    %dma_start3A_20 = arith.constant 0 : i32
    %dma_start3A_21 = tpu.memref_slice %arg2[%dma_start3A_19, %dma_start3A_20] : memref<16384x2048xf32, #tpu.memory_space<hbm>> -> memref<16384x2048xf32, #tpu.memory_space<hbm>>
    tpu.enqueue_indirect_dma source(%dma_start3A_21 : memref<16384x2048xf32, #tpu.memory_space<hbm>>) target(%dma_start3A_16 : memref<8x2048xf32, #tpu.memory_space<vmem>>) offsets(%dma_start3A_18 : memref<8xi32, #tpu.memory_space<vmem>>) semaphore(%arg8 : memref<!tpu.dma_semaphore, #tpu.memory_space<semaphore_mem>>)
    %dma_start3A_22 = arith.constant 2 : i32
    %dma_start3A_23 = arith.constant 0 : i32
    %dma_start3A_24 = arith.constant 0 : i32
    %dma_start3A_25 = tpu.memref_slice %arg6[%dma_start3A_22, %dma_start3A_23, %dma_start3A_24] : memref<7x8x2048xf32, #tpu.memory_space<vmem>> -> memref<1x8x2048xf32, #tpu.memory_space<vmem>>
    %dma_start3A_26 = tpu.memref_squeeze %dma_start3A_25 : memref<1x8x2048xf32, #tpu.memory_space<vmem>> -> memref<8x2048xf32, #tpu.memory_space<vmem>>
    %dma_start3A_27 = arith.constant 16 : i32
    %dma_start3A_28 = tpu.memref_slice %arg5[%dma_start3A_27] : memref<512xi32, #tpu.memory_space<vmem>> -> memref<8xi32, #tpu.memory_space<vmem>>
    %dma_start3A_29 = arith.constant 0 : i32
    %dma_start3A_30 = arith.constant 0 : i32
    %dma_start3A_31 = tpu.memref_slice %arg2[%dma_start3A_29, %dma_start3A_30] : memref<16384x2048xf32, #tpu.memory_space<hbm>> -> memref<16384x2048xf32, #tpu.memory_space<hbm>>
    tpu.enqueue_indirect_dma source(%dma_start3A_31 : memref<16384x2048xf32, #tpu.memory_space<hbm>>) target(%dma_start3A_26 : memref<8x2048xf32, #tpu.memory_space<vmem>>) offsets(%dma_start3A_28 : memref<8xi32, #tpu.memory_space<vmem>>) semaphore(%arg9 : memref<!tpu.dma_semaphore, #tpu.memory_space<semaphore_mem>>)
    %dma_start3A_32 = arith.constant 3 : i32
    %dma_start3A_33 = arith.constant 0 : i32
    %dma_start3A_34 = arith.constant 0 : i32
    %dma_start3A_35 = tpu.memref_slice %arg6[%dma_start3A_32, %dma_start3A_33, %dma_start3A_34] : memref<7x8x2048xf32, #tpu.memory_space<vmem>> -> memref<1x8x2048xf32, #tpu.memory_space<vmem>>
    %dma_start3A_36 = tpu.memref_squeeze %dma_start3A_35 : memref<1x8x2048xf32, #tpu.memory_space<vmem>> -> memref<8x2048xf32, #tpu.memory_space<vmem>>
    %dma_start3A_37 = arith.constant 24 : i32
    %dma_start3A_38 = tpu.memref_slice %arg5[%dma_start3A_37] : memref<512xi32, #tpu.memory_space<vmem>> -> memref<8xi32, #tpu.memory_space<vmem>>
    %dma_start3A_39 = arith.constant 0 : i32
    %dma_start3A_40 = arith.constant 0 : i32
    %dma_start3A_41 = tpu.memref_slice %arg2[%dma_start3A_39, %dma_start3A_40] : memref<16384x2048xf32, #tpu.memory_space<hbm>> -> memref<16384x2048xf32, #tpu.memory_space<hbm>>
    tpu.enqueue_indirect_dma source(%dma_start3A_41 : memref<16384x2048xf32, #tpu.memory_space<hbm>>) target(%dma_start3A_36 : memref<8x2048xf32, #tpu.memory_space<vmem>>) offsets(%dma_start3A_38 : memref<8xi32, #tpu.memory_space<vmem>>) semaphore(%arg10 : memref<!tpu.dma_semaphore, #tpu.memory_space<semaphore_mem>>)
    %dma_start3A_42 = arith.constant 4 : i32
    %dma_start3A_43 = arith.constant 0 : i32
    %dma_start3A_44 = arith.constant 0 : i32
    %dma_start3A_45 = tpu.memref_slice %arg6[%dma_start3A_42, %dma_start3A_43, %dma_start3A_44] : memref<7x8x2048xf32, #tpu.memory_space<vmem>> -> memref<1x8x2048xf32, #tpu.memory_space<vmem>>
    %dma_start3A_46 = tpu.memref_squeeze %dma_start3A_45 : memref<1x8x2048xf32, #tpu.memory_space<vmem>> -> memref<8x2048xf32, #tpu.memory_space<vmem>>
    %dma_start3A_47 = arith.constant 32 : i32
    %dma_start3A_48 = tpu.memref_slice %arg5[%dma_start3A_47] : memref<512xi32, #tpu.memory_space<vmem>> -> memref<8xi32, #tpu.memory_space<vmem>>
    %dma_start3A_49 = arith.constant 0 : i32
    %dma_start3A_50 = arith.constant 0 : i32
    %dma_start3A_51 = tpu.memref_slice %arg2[%dma_start3A_49, %dma_start3A_50] : memref<16384x2048xf32, #tpu.memory_space<hbm>> -> memref<16384x2048xf32, #tpu.memory_space<hbm>>
    tpu.enqueue_indirect_dma source(%dma_start3A_51 : memref<16384x2048xf32, #tpu.memory_space<hbm>>) target(%dma_start3A_46 : memref<8x2048xf32, #tpu.memory_space<vmem>>) offsets(%dma_start3A_48 : memref<8xi32, #tpu.memory_space<vmem>>) semaphore(%arg11 : memref<!tpu.dma_semaphore, #tpu.memory_space<semaphore_mem>>)
    %scan3A = arith.constant 0 : i32
    %scan3A_52 = arith.constant 0 : i32
    %scan3A_53 = arith.constant 9 : i32
    %scan3A_54 = arith.addi %scan3A_52, %scan3A_53 : i32
    %scan3A_55 = arith.constant 1 : i32
    %scan3A_56 = scf.for %scan3A_173 = %scan3A_52 to %scan3A_54 step %scan3A_55 iter_args(%scan3A_174 = %scan3A) -> (i32)  : i32 {
      %mul3A_175 = arith.constant 7 : i32
      %mul3A_176 = arith.muli %mul3A_175, %scan3A_173 : i32
      %add3A_177 = arith.constant 0 : i32
      %add3A_178 = arith.addi %mul3A_176, %add3A_177 : i32
      %dma_wait3A_179 = arith.constant 0 : i32
      %dma_wait3A_180 = arith.constant 0 : i32
      %dma_wait3A_181 = arith.constant 0 : i32
      %dma_wait3A_182 = tpu.memref_slice %arg6[%dma_wait3A_179, %dma_wait3A_180, %dma_wait3A_181] : memref<7x8x2048xf32, #tpu.memory_space<vmem>> -> memref<1x8x2048xf32, #tpu.memory_space<vmem>>
      %dma_wait3A_183 = tpu.memref_squeeze %dma_wait3A_182 : memref<1x8x2048xf32, #tpu.memory_space<vmem>> -> memref<8x2048xf32, #tpu.memory_space<vmem>>
      %dma_wait3A_184 = arith.constant 0 : i32
      %dma_wait3A_185 = tpu.memref_slice %arg5[%dma_wait3A_184] : memref<512xi32, #tpu.memory_space<vmem>> -> memref<8xi32, #tpu.memory_space<vmem>>
      %dma_wait3A_186 = arith.constant 0 : i32
      %dma_wait3A_187 = arith.constant 0 : i32
      %dma_wait3A_188 = tpu.memref_slice %arg2[%dma_wait3A_186, %dma_wait3A_187] : memref<16384x2048xf32, #tpu.memory_space<hbm>> -> memref<16384x2048xf32, #tpu.memory_space<hbm>>
      tpu.wait_indirect_dma semaphore(%arg7 : memref<!tpu.dma_semaphore, #tpu.memory_space<semaphore_mem>>) src(%dma_wait3A_188 : memref<16384x2048xf32, #tpu.memory_space<hbm>>) dst(%dma_wait3A_183 : memref<8x2048xf32, #tpu.memory_space<vmem>>)
      %mul3A_189 = arith.constant 8 : i32
      %mul3A_190 = arith.muli %add3A_178, %mul3A_189 : i32
      %add3A_191 = arith.addi %mul3A_2, %mul3A_190 : i32
      %dma_start3A_192 = arith.constant 0 : i32
      %dma_start3A_193 = arith.constant 0 : i32
      %dma_start3A_194 = arith.constant 0 : i32
      %dma_start3A_195 = tpu.memref_slice %arg6[%dma_start3A_192, %dma_start3A_193, %dma_start3A_194] : memref<7x8x2048xf32, #tpu.memory_space<vmem>> -> memref<1x8x2048xf32, #tpu.memory_space<vmem>>
      %dma_start3A_196 = tpu.memref_squeeze %dma_start3A_195 : memref<1x8x2048xf32, #tpu.memory_space<vmem>> -> memref<8x2048xf32, #tpu.memory_space<vmem>>
      %dma_start3A_197 = arith.constant 0 : i32
      %dma_start3A_198 = tpu.memref_slice %arg4[%add3A_191, %dma_start3A_197] : memref<16384x2048xf32, #tpu.memory_space<hbm>> -> memref<8x2048xf32, #tpu.memory_space<hbm>>
      %dma_start3A_199 = arith.constant 0 : i32
      %dma_start3A_200 = tpu.memref_slice %arg4[%add3A_191, %dma_start3A_199] : memref<16384x2048xf32, #tpu.memory_space<hbm>> -> memref<8x2048xf32, #tpu.memory_space<hbm>>
      %dma_start3A_201 = arith.constant 0 : i32
      %dma_start3A_202 = arith.constant 0 : i32
      %dma_start3A_203 = tpu.memref_slice %arg6[%dma_start3A_192, %dma_start3A_201, %dma_start3A_202] : memref<7x8x2048xf32, #tpu.memory_space<vmem>> -> memref<1x8x2048xf32, #tpu.memory_space<vmem>>
      %dma_start3A_204 = tpu.memref_squeeze %dma_start3A_203 : memref<1x8x2048xf32, #tpu.memory_space<vmem>> -> memref<8x2048xf32, #tpu.memory_space<vmem>>
      tpu.enqueue_dma source(%dma_start3A_204 : memref<8x2048xf32, #tpu.memory_space<vmem>>) target(%dma_start3A_200 : memref<8x2048xf32, #tpu.memory_space<hbm>>) target_semaphore(%arg14 : memref<!tpu.dma_semaphore, #tpu.memory_space<semaphore_mem>>)
      %ge3A = arith.constant 2 : i32
      %ge3A_205 = arith.cmpi sge, %add3A_178, %ge3A : i32
      %add3A_206 = arith.constant 5 : i32
      %add3A_207 = arith.addi %add3A_178, %add3A_206 : i32
      %lt3A = arith.constant 64 : i32
      %lt3A_208 = arith.cmpi slt, %add3A_207, %lt3A : i32
      %and3A = arith.andi %ge3A_205, %lt3A_208 : i1
      %convert_element_type3A = arith.extui %and3A : i1 to i32
      %cond3A = arith.constant 0 : i32
      %cond3A_209 = arith.cmpi ne, %convert_element_type3A, %cond3A : i32
      scf.if %cond3A_209 {
        %dma_wait3A_521 = arith.constant 5 : i32
        %dma_wait3A_522 = arith.constant 0 : i32
        %dma_wait3A_523 = arith.constant 0 : i32
        %dma_wait3A_524 = tpu.memref_slice %arg6[%dma_wait3A_521, %dma_wait3A_522, %dma_wait3A_523] : memref<7x8x2048xf32, #tpu.memory_space<vmem>> -> memref<1x8x2048xf32, #tpu.memory_space<vmem>>
        %dma_wait3A_525 = tpu.memref_squeeze %dma_wait3A_524 : memref<1x8x2048xf32, #tpu.memory_space<vmem>> -> memref<8x2048xf32, #tpu.memory_space<vmem>>
        %dma_wait3A_526 = arith.constant 0 : i32
        %dma_wait3A_527 = tpu.memref_slice %arg4[%mul3A_2, %dma_wait3A_526] : memref<16384x2048xf32, #tpu.memory_space<hbm>> -> memref<8x2048xf32, #tpu.memory_space<hbm>>
        %dma_wait3A_528 = arith.constant 0 : i32
        %dma_wait3A_529 = tpu.memref_slice %arg4[%mul3A_2, %dma_wait3A_528] : memref<16384x2048xf32, #tpu.memory_space<hbm>> -> memref<8x2048xf32, #tpu.memory_space<hbm>>
        %dma_wait3A_530 = arith.constant 0 : i32
        %dma_wait3A_531 = arith.constant 0 : i32
        %dma_wait3A_532 = tpu.memref_slice %arg6[%dma_wait3A_521, %dma_wait3A_530, %dma_wait3A_531] : memref<7x8x2048xf32, #tpu.memory_space<vmem>> -> memref<1x8x2048xf32, #tpu.memory_space<vmem>>
        %dma_wait3A_533 = tpu.memref_squeeze %dma_wait3A_532 : memref<1x8x2048xf32, #tpu.memory_space<vmem>> -> memref<8x2048xf32, #tpu.memory_space<vmem>>
        tpu.wait_dma2 semaphore(%arg19 : memref<!tpu.dma_semaphore, #tpu.memory_space<semaphore_mem>>) src(%dma_wait3A_533 : memref<8x2048xf32, #tpu.memory_space<vmem>>) dst(%dma_wait3A_529 : memref<8x2048xf32, #tpu.memory_space<hbm>>)
        %add3A_534 = arith.constant 5 : i32
        %add3A_535 = arith.addi %add3A_178, %add3A_534 : i32
        %mul3A_536 = arith.constant 8 : i32
        %mul3A_537 = arith.muli %add3A_535, %mul3A_536 : i32
        %dma_start3A_538 = arith.constant 5 : i32
        %dma_start3A_539 = arith.constant 0 : i32
        %dma_start3A_540 = arith.constant 0 : i32
        %dma_start3A_541 = tpu.memref_slice %arg6[%dma_start3A_538, %dma_start3A_539, %dma_start3A_540] : memref<7x8x2048xf32, #tpu.memory_space<vmem>> -> memref<1x8x2048xf32, #tpu.memory_space<vmem>>
        %dma_start3A_542 = tpu.memref_squeeze %dma_start3A_541 : memref<1x8x2048xf32, #tpu.memory_space<vmem>> -> memref<8x2048xf32, #tpu.memory_space<vmem>>
        %dma_start3A_543 = tpu.memref_slice %arg5[%mul3A_537] : memref<512xi32, #tpu.memory_space<vmem>> -> memref<8xi32, #tpu.memory_space<vmem>>
        %dma_start3A_544 = arith.constant 0 : i32
        %dma_start3A_545 = arith.constant 0 : i32
        %dma_start3A_546 = tpu.memref_slice %arg2[%dma_start3A_544, %dma_start3A_545] : memref<16384x2048xf32, #tpu.memory_space<hbm>> -> memref<16384x2048xf32, #tpu.memory_space<hbm>>
        tpu.enqueue_indirect_dma source(%dma_start3A_546 : memref<16384x2048xf32, #tpu.memory_space<hbm>>) target(%dma_start3A_542 : memref<8x2048xf32, #tpu.memory_space<vmem>>) offsets(%dma_start3A_543 : memref<8xi32, #tpu.memory_space<vmem>>) semaphore(%arg12 : memref<!tpu.dma_semaphore, #tpu.memory_space<semaphore_mem>>)
      } else {
      }
      %lt3A_210 = arith.constant 2 : i32
      %lt3A_211 = arith.cmpi slt, %add3A_178, %lt3A_210 : i32
      %add3A_212 = arith.constant 5 : i32
      %add3A_213 = arith.addi %add3A_178, %add3A_212 : i32
      %lt3A_214 = arith.constant 64 : i32
      %lt3A_215 = arith.cmpi slt, %add3A_213, %lt3A_214 : i32
      %and3A_216 = arith.andi %lt3A_211, %lt3A_215 : i1
      %convert_element_type3A_217 = arith.extui %and3A_216 : i1 to i32
      %cond3A_218 = arith.constant 0 : i32
      %cond3A_219 = arith.cmpi ne, %convert_element_type3A_217, %cond3A_218 : i32
      scf.if %cond3A_219 {
        %add3A_521 = arith.constant 5 : i32
        %add3A_522 = arith.addi %add3A_178, %add3A_521 : i32
        %mul3A_523 = arith.constant 8 : i32
        %mul3A_524 = arith.muli %add3A_522, %mul3A_523 : i32
        %dma_start3A_525 = arith.constant 5 : i32
        %dma_start3A_526 = arith.constant 0 : i32
        %dma_start3A_527 = arith.constant 0 : i32
        %dma_start3A_528 = tpu.memref_slice %arg6[%dma_start3A_525, %dma_start3A_526, %dma_start3A_527] : memref<7x8x2048xf32, #tpu.memory_space<vmem>> -> memref<1x8x2048xf32, #tpu.memory_space<vmem>>
        %dma_start3A_529 = tpu.memref_squeeze %dma_start3A_528 : memref<1x8x2048xf32, #tpu.memory_space<vmem>> -> memref<8x2048xf32, #tpu.memory_space<vmem>>
        %dma_start3A_530 = tpu.memref_slice %arg5[%mul3A_524] : memref<512xi32, #tpu.memory_space<vmem>> -> memref<8xi32, #tpu.memory_space<vmem>>
        %dma_start3A_531 = arith.constant 0 : i32
        %dma_start3A_532 = arith.constant 0 : i32
        %dma_start3A_533 = tpu.memref_slice %arg2[%dma_start3A_531, %dma_start3A_532] : memref<16384x2048xf32, #tpu.memory_space<hbm>> -> memref<16384x2048xf32, #tpu.memory_space<hbm>>
        tpu.enqueue_indirect_dma source(%dma_start3A_533 : memref<16384x2048xf32, #tpu.memory_space<hbm>>) target(%dma_start3A_529 : memref<8x2048xf32, #tpu.memory_space<vmem>>) offsets(%dma_start3A_530 : memref<8xi32, #tpu.memory_space<vmem>>) semaphore(%arg12 : memref<!tpu.dma_semaphore, #tpu.memory_space<semaphore_mem>>)
      } else {
      }
      %mul3A_220 = arith.constant 7 : i32
      %mul3A_221 = arith.muli %mul3A_220, %scan3A_173 : i32
      %add3A_222 = arith.constant 1 : i32
      %add3A_223 = arith.addi %mul3A_221, %add3A_222 : i32
      %dma_wait3A_224 = arith.constant 1 : i32
      %dma_wait3A_225 = arith.constant 0 : i32
      %dma_wait3A_226 = arith.constant 0 : i32
      %dma_wait3A_227 = tpu.memref_slice %arg6[%dma_wait3A_224, %dma_wait3A_225, %dma_wait3A_226] : memref<7x8x2048xf32, #tpu.memory_space<vmem>> -> memref<1x8x2048xf32, #tpu.memory_space<vmem>>
      %dma_wait3A_228 = tpu.memref_squeeze %dma_wait3A_227 : memref<1x8x2048xf32, #tpu.memory_space<vmem>> -> memref<8x2048xf32, #tpu.memory_space<vmem>>
      %dma_wait3A_229 = arith.constant 0 : i32
      %dma_wait3A_230 = tpu.memref_slice %arg5[%dma_wait3A_229] : memref<512xi32, #tpu.memory_space<vmem>> -> memref<8xi32, #tpu.memory_space<vmem>>
      %dma_wait3A_231 = arith.constant 0 : i32
      %dma_wait3A_232 = arith.constant 0 : i32
      %dma_wait3A_233 = tpu.memref_slice %arg2[%dma_wait3A_231, %dma_wait3A_232] : memref<16384x2048xf32, #tpu.memory_space<hbm>> -> memref<16384x2048xf32, #tpu.memory_space<hbm>>
      tpu.wait_indirect_dma semaphore(%arg8 : memref<!tpu.dma_semaphore, #tpu.memory_space<semaphore_mem>>) src(%dma_wait3A_233 : memref<16384x2048xf32, #tpu.memory_space<hbm>>) dst(%dma_wait3A_228 : memref<8x2048xf32, #tpu.memory_space<vmem>>)
      %mul3A_234 = arith.constant 8 : i32
      %mul3A_235 = arith.muli %add3A_223, %mul3A_234 : i32
      %add3A_236 = arith.addi %mul3A_2, %mul3A_235 : i32
      %dma_start3A_237 = arith.constant 1 : i32
      %dma_start3A_238 = arith.constant 0 : i32
      %dma_start3A_239 = arith.constant 0 : i32
      %dma_start3A_240 = tpu.memref_slice %arg6[%dma_start3A_237, %dma_start3A_238, %dma_start3A_239] : memref<7x8x2048xf32, #tpu.memory_space<vmem>> -> memref<1x8x2048xf32, #tpu.memory_space<vmem>>
      %dma_start3A_241 = tpu.memref_squeeze %dma_start3A_240 : memref<1x8x2048xf32, #tpu.memory_space<vmem>> -> memref<8x2048xf32, #tpu.memory_space<vmem>>
      %dma_start3A_242 = arith.constant 0 : i32
      %dma_start3A_243 = tpu.memref_slice %arg4[%add3A_236, %dma_start3A_242] : memref<16384x2048xf32, #tpu.memory_space<hbm>> -> memref<8x2048xf32, #tpu.memory_space<hbm>>
      %dma_start3A_244 = arith.constant 0 : i32
      %dma_start3A_245 = tpu.memref_slice %arg4[%add3A_236, %dma_start3A_244] : memref<16384x2048xf32, #tpu.memory_space<hbm>> -> memref<8x2048xf32, #tpu.memory_space<hbm>>
      %dma_start3A_246 = arith.constant 0 : i32
      %dma_start3A_247 = arith.constant 0 : i32
      %dma_start3A_248 = tpu.memref_slice %arg6[%dma_start3A_237, %dma_start3A_246, %dma_start3A_247] : memref<7x8x2048xf32, #tpu.memory_space<vmem>> -> memref<1x8x2048xf32, #tpu.memory_space<vmem>>
      %dma_start3A_249 = tpu.memref_squeeze %dma_start3A_248 : memref<1x8x2048xf32, #tpu.memory_space<vmem>> -> memref<8x2048xf32, #tpu.memory_space<vmem>>
      tpu.enqueue_dma source(%dma_start3A_249 : memref<8x2048xf32, #tpu.memory_space<vmem>>) target(%dma_start3A_245 : memref<8x2048xf32, #tpu.memory_space<hbm>>) target_semaphore(%arg15 : memref<!tpu.dma_semaphore, #tpu.memory_space<semaphore_mem>>)
      %ge3A_250 = arith.constant 2 : i32
      %ge3A_251 = arith.cmpi sge, %add3A_223, %ge3A_250 : i32
      %add3A_252 = arith.constant 5 : i32
      %add3A_253 = arith.addi %add3A_223, %add3A_252 : i32
      %lt3A_254 = arith.constant 64 : i32
      %lt3A_255 = arith.cmpi slt, %add3A_253, %lt3A_254 : i32
      %and3A_256 = arith.andi %ge3A_251, %lt3A_255 : i1
      %convert_element_type3A_257 = arith.extui %and3A_256 : i1 to i32
      %cond3A_258 = arith.constant 0 : i32
      %cond3A_259 = arith.cmpi ne, %convert_element_type3A_257, %cond3A_258 : i32
      scf.if %cond3A_259 {
        %dma_wait3A_521 = arith.constant 6 : i32
        %dma_wait3A_522 = arith.constant 0 : i32
        %dma_wait3A_523 = arith.constant 0 : i32
        %dma_wait3A_524 = tpu.memref_slice %arg6[%dma_wait3A_521, %dma_wait3A_522, %dma_wait3A_523] : memref<7x8x2048xf32, #tpu.memory_space<vmem>> -> memref<1x8x2048xf32, #tpu.memory_space<vmem>>
        %dma_wait3A_525 = tpu.memref_squeeze %dma_wait3A_524 : memref<1x8x2048xf32, #tpu.memory_space<vmem>> -> memref<8x2048xf32, #tpu.memory_space<vmem>>
        %dma_wait3A_526 = arith.constant 0 : i32
        %dma_wait3A_527 = tpu.memref_slice %arg4[%mul3A_2, %dma_wait3A_526] : memref<16384x2048xf32, #tpu.memory_space<hbm>> -> memref<8x2048xf32, #tpu.memory_space<hbm>>
        %dma_wait3A_528 = arith.constant 0 : i32
        %dma_wait3A_529 = tpu.memref_slice %arg4[%mul3A_2, %dma_wait3A_528] : memref<16384x2048xf32, #tpu.memory_space<hbm>> -> memref<8x2048xf32, #tpu.memory_space<hbm>>
        %dma_wait3A_530 = arith.constant 0 : i32
        %dma_wait3A_531 = arith.constant 0 : i32
        %dma_wait3A_532 = tpu.memref_slice %arg6[%dma_wait3A_521, %dma_wait3A_530, %dma_wait3A_531] : memref<7x8x2048xf32, #tpu.memory_space<vmem>> -> memref<1x8x2048xf32, #tpu.memory_space<vmem>>
        %dma_wait3A_533 = tpu.memref_squeeze %dma_wait3A_532 : memref<1x8x2048xf32, #tpu.memory_space<vmem>> -> memref<8x2048xf32, #tpu.memory_space<vmem>>
        tpu.wait_dma2 semaphore(%arg20 : memref<!tpu.dma_semaphore, #tpu.memory_space<semaphore_mem>>) src(%dma_wait3A_533 : memref<8x2048xf32, #tpu.memory_space<vmem>>) dst(%dma_wait3A_529 : memref<8x2048xf32, #tpu.memory_space<hbm>>)
        %add3A_534 = arith.constant 5 : i32
        %add3A_535 = arith.addi %add3A_223, %add3A_534 : i32
        %mul3A_536 = arith.constant 8 : i32
        %mul3A_537 = arith.muli %add3A_535, %mul3A_536 : i32
        %dma_start3A_538 = arith.constant 6 : i32
        %dma_start3A_539 = arith.constant 0 : i32
        %dma_start3A_540 = arith.constant 0 : i32
        %dma_start3A_541 = tpu.memref_slice %arg6[%dma_start3A_538, %dma_start3A_539, %dma_start3A_540] : memref<7x8x2048xf32, #tpu.memory_space<vmem>> -> memref<1x8x2048xf32, #tpu.memory_space<vmem>>
        %dma_start3A_542 = tpu.memref_squeeze %dma_start3A_541 : memref<1x8x2048xf32, #tpu.memory_space<vmem>> -> memref<8x2048xf32, #tpu.memory_space<vmem>>
        %dma_start3A_543 = tpu.memref_slice %arg5[%mul3A_537] : memref<512xi32, #tpu.memory_space<vmem>> -> memref<8xi32, #tpu.memory_space<vmem>>
        %dma_start3A_544 = arith.constant 0 : i32
        %dma_start3A_545 = arith.constant 0 : i32
        %dma_start3A_546 = tpu.memref_slice %arg2[%dma_start3A_544, %dma_start3A_545] : memref<16384x2048xf32, #tpu.memory_space<hbm>> -> memref<16384x2048xf32, #tpu.memory_space<hbm>>
        tpu.enqueue_indirect_dma source(%dma_start3A_546 : memref<16384x2048xf32, #tpu.memory_space<hbm>>) target(%dma_start3A_542 : memref<8x2048xf32, #tpu.memory_space<vmem>>) offsets(%dma_start3A_543 : memref<8xi32, #tpu.memory_space<vmem>>) semaphore(%arg13 : memref<!tpu.dma_semaphore, #tpu.memory_space<semaphore_mem>>)
      } else {
      }
      %lt3A_260 = arith.constant 2 : i32
      %lt3A_261 = arith.cmpi slt, %add3A_223, %lt3A_260 : i32
      %add3A_262 = arith.constant 5 : i32
      %add3A_263 = arith.addi %add3A_223, %add3A_262 : i32
      %lt3A_264 = arith.constant 64 : i32
      %lt3A_265 = arith.cmpi slt, %add3A_263, %lt3A_264 : i32
      %and3A_266 = arith.andi %lt3A_261, %lt3A_265 : i1
      %convert_element_type3A_267 = arith.extui %and3A_266 : i1 to i32
      %cond3A_268 = arith.constant 0 : i32
      %cond3A_269 = arith.cmpi ne, %convert_element_type3A_267, %cond3A_268 : i32
      scf.if %cond3A_269 {
        %add3A_521 = arith.constant 5 : i32
        %add3A_522 = arith.addi %add3A_223, %add3A_521 : i32
        %mul3A_523 = arith.constant 8 : i32
        %mul3A_524 = arith.muli %add3A_522, %mul3A_523 : i32
        %dma_start3A_525 = arith.constant 6 : i32
        %dma_start3A_526 = arith.constant 0 : i32
        %dma_start3A_527 = arith.constant 0 : i32
        %dma_start3A_528 = tpu.memref_slice %arg6[%dma_start3A_525, %dma_start3A_526, %dma_start3A_527] : memref<7x8x2048xf32, #tpu.memory_space<vmem>> -> memref<1x8x2048xf32, #tpu.memory_space<vmem>>
        %dma_start3A_529 = tpu.memref_squeeze %dma_start3A_528 : memref<1x8x2048xf32, #tpu.memory_space<vmem>> -> memref<8x2048xf32, #tpu.memory_space<vmem>>
        %dma_start3A_530 = tpu.memref_slice %arg5[%mul3A_524] : memref<512xi32, #tpu.memory_space<vmem>> -> memref<8xi32, #tpu.memory_space<vmem>>
        %dma_start3A_531 = arith.constant 0 : i32
        %dma_start3A_532 = arith.constant 0 : i32
        %dma_start3A_533 = tpu.memref_slice %arg2[%dma_start3A_531, %dma_start3A_532] : memref<16384x2048xf32, #tpu.memory_space<hbm>> -> memref<16384x2048xf32, #tpu.memory_space<hbm>>
        tpu.enqueue_indirect_dma source(%dma_start3A_533 : memref<16384x2048xf32, #tpu.memory_space<hbm>>) target(%dma_start3A_529 : memref<8x2048xf32, #tpu.memory_space<vmem>>) offsets(%dma_start3A_530 : memref<8xi32, #tpu.memory_space<vmem>>) semaphore(%arg13 : memref<!tpu.dma_semaphore, #tpu.memory_space<semaphore_mem>>)
      } else {
      }
      %mul3A_270 = arith.constant 7 : i32
      %mul3A_271 = arith.muli %mul3A_270, %scan3A_173 : i32
      %add3A_272 = arith.constant 2 : i32
      %add3A_273 = arith.addi %mul3A_271, %add3A_272 : i32
      %dma_wait3A_274 = arith.constant 2 : i32
      %dma_wait3A_275 = arith.constant 0 : i32
      %dma_wait3A_276 = arith.constant 0 : i32
      %dma_wait3A_277 = tpu.memref_slice %arg6[%dma_wait3A_274, %dma_wait3A_275, %dma_wait3A_276] : memref<7x8x2048xf32, #tpu.memory_space<vmem>> -> memref<1x8x2048xf32, #tpu.memory_space<vmem>>
      %dma_wait3A_278 = tpu.memref_squeeze %dma_wait3A_277 : memref<1x8x2048xf32, #tpu.memory_space<vmem>> -> memref<8x2048xf32, #tpu.memory_space<vmem>>
      %dma_wait3A_279 = arith.constant 0 : i32
      %dma_wait3A_280 = tpu.memref_slice %arg5[%dma_wait3A_279] : memref<512xi32, #tpu.memory_space<vmem>> -> memref<8xi32, #tpu.memory_space<vmem>>
      %dma_wait3A_281 = arith.constant 0 : i32
      %dma_wait3A_282 = arith.constant 0 : i32
      %dma_wait3A_283 = tpu.memref_slice %arg2[%dma_wait3A_281, %dma_wait3A_282] : memref<16384x2048xf32, #tpu.memory_space<hbm>> -> memref<16384x2048xf32, #tpu.memory_space<hbm>>
      tpu.wait_indirect_dma semaphore(%arg9 : memref<!tpu.dma_semaphore, #tpu.memory_space<semaphore_mem>>) src(%dma_wait3A_283 : memref<16384x2048xf32, #tpu.memory_space<hbm>>) dst(%dma_wait3A_278 : memref<8x2048xf32, #tpu.memory_space<vmem>>)
      %mul3A_284 = arith.constant 8 : i32
      %mul3A_285 = arith.muli %add3A_273, %mul3A_284 : i32
      %add3A_286 = arith.addi %mul3A_2, %mul3A_285 : i32
      %dma_start3A_287 = arith.constant 2 : i32
      %dma_start3A_288 = arith.constant 0 : i32
      %dma_start3A_289 = arith.constant 0 : i32
      %dma_start3A_290 = tpu.memref_slice %arg6[%dma_start3A_287, %dma_start3A_288, %dma_start3A_289] : memref<7x8x2048xf32, #tpu.memory_space<vmem>> -> memref<1x8x2048xf32, #tpu.memory_space<vmem>>
      %dma_start3A_291 = tpu.memref_squeeze %dma_start3A_290 : memref<1x8x2048xf32, #tpu.memory_space<vmem>> -> memref<8x2048xf32, #tpu.memory_space<vmem>>
      %dma_start3A_292 = arith.constant 0 : i32
      %dma_start3A_293 = tpu.memref_slice %arg4[%add3A_286, %dma_start3A_292] : memref<16384x2048xf32, #tpu.memory_space<hbm>> -> memref<8x2048xf32, #tpu.memory_space<hbm>>
      %dma_start3A_294 = arith.constant 0 : i32
      %dma_start3A_295 = tpu.memref_slice %arg4[%add3A_286, %dma_start3A_294] : memref<16384x2048xf32, #tpu.memory_space<hbm>> -> memref<8x2048xf32, #tpu.memory_space<hbm>>
      %dma_start3A_296 = arith.constant 0 : i32
      %dma_start3A_297 = arith.constant 0 : i32
      %dma_start3A_298 = tpu.memref_slice %arg6[%dma_start3A_287, %dma_start3A_296, %dma_start3A_297] : memref<7x8x2048xf32, #tpu.memory_space<vmem>> -> memref<1x8x2048xf32, #tpu.memory_space<vmem>>
      %dma_start3A_299 = tpu.memref_squeeze %dma_start3A_298 : memref<1x8x2048xf32, #tpu.memory_space<vmem>> -> memref<8x2048xf32, #tpu.memory_space<vmem>>
      tpu.enqueue_dma source(%dma_start3A_299 : memref<8x2048xf32, #tpu.memory_space<vmem>>) target(%dma_start3A_295 : memref<8x2048xf32, #tpu.memory_space<hbm>>) target_semaphore(%arg16 : memref<!tpu.dma_semaphore, #tpu.memory_space<semaphore_mem>>)
      %ge3A_300 = arith.constant 2 : i32
      %ge3A_301 = arith.cmpi sge, %add3A_273, %ge3A_300 : i32
      %add3A_302 = arith.constant 5 : i32
      %add3A_303 = arith.addi %add3A_273, %add3A_302 : i32
      %lt3A_304 = arith.constant 64 : i32
      %lt3A_305 = arith.cmpi slt, %add3A_303, %lt3A_304 : i32
      %and3A_306 = arith.andi %ge3A_301, %lt3A_305 : i1
      %convert_element_type3A_307 = arith.extui %and3A_306 : i1 to i32
      %cond3A_308 = arith.constant 0 : i32
      %cond3A_309 = arith.cmpi ne, %convert_element_type3A_307, %cond3A_308 : i32
      scf.if %cond3A_309 {
        %dma_wait3A_521 = arith.constant 0 : i32
        %dma_wait3A_522 = arith.constant 0 : i32
        %dma_wait3A_523 = arith.constant 0 : i32
        %dma_wait3A_524 = tpu.memref_slice %arg6[%dma_wait3A_521, %dma_wait3A_522, %dma_wait3A_523] : memref<7x8x2048xf32, #tpu.memory_space<vmem>> -> memref<1x8x2048xf32, #tpu.memory_space<vmem>>
        %dma_wait3A_525 = tpu.memref_squeeze %dma_wait3A_524 : memref<1x8x2048xf32, #tpu.memory_space<vmem>> -> memref<8x2048xf32, #tpu.memory_space<vmem>>
        %dma_wait3A_526 = arith.constant 0 : i32
        %dma_wait3A_527 = tpu.memref_slice %arg4[%mul3A_2, %dma_wait3A_526] : memref<16384x2048xf32, #tpu.memory_space<hbm>> -> memref<8x2048xf32, #tpu.memory_space<hbm>>
        %dma_wait3A_528 = arith.constant 0 : i32
        %dma_wait3A_529 = tpu.memref_slice %arg4[%mul3A_2, %dma_wait3A_528] : memref<16384x2048xf32, #tpu.memory_space<hbm>> -> memref<8x2048xf32, #tpu.memory_space<hbm>>
        %dma_wait3A_530 = arith.constant 0 : i32
        %dma_wait3A_531 = arith.constant 0 : i32
        %dma_wait3A_532 = tpu.memref_slice %arg6[%dma_wait3A_521, %dma_wait3A_530, %dma_wait3A_531] : memref<7x8x2048xf32, #tpu.memory_space<vmem>> -> memref<1x8x2048xf32, #tpu.memory_space<vmem>>
        %dma_wait3A_533 = tpu.memref_squeeze %dma_wait3A_532 : memref<1x8x2048xf32, #tpu.memory_space<vmem>> -> memref<8x2048xf32, #tpu.memory_space<vmem>>
        tpu.wait_dma2 semaphore(%arg14 : memref<!tpu.dma_semaphore, #tpu.memory_space<semaphore_mem>>) src(%dma_wait3A_533 : memref<8x2048xf32, #tpu.memory_space<vmem>>) dst(%dma_wait3A_529 : memref<8x2048xf32, #tpu.memory_space<hbm>>)
        %add3A_534 = arith.constant 5 : i32
        %add3A_535 = arith.addi %add3A_273, %add3A_534 : i32
        %mul3A_536 = arith.constant 8 : i32
        %mul3A_537 = arith.muli %add3A_535, %mul3A_536 : i32
        %dma_start3A_538 = arith.constant 0 : i32
        %dma_start3A_539 = arith.constant 0 : i32
        %dma_start3A_540 = arith.constant 0 : i32
        %dma_start3A_541 = tpu.memref_slice %arg6[%dma_start3A_538, %dma_start3A_539, %dma_start3A_540] : memref<7x8x2048xf32, #tpu.memory_space<vmem>> -> memref<1x8x2048xf32, #tpu.memory_space<vmem>>
        %dma_start3A_542 = tpu.memref_squeeze %dma_start3A_541 : memref<1x8x2048xf32, #tpu.memory_space<vmem>> -> memref<8x2048xf32, #tpu.memory_space<vmem>>
        %dma_start3A_543 = tpu.memref_slice %arg5[%mul3A_537] : memref<512xi32, #tpu.memory_space<vmem>> -> memref<8xi32, #tpu.memory_space<vmem>>
        %dma_start3A_544 = arith.constant 0 : i32
        %dma_start3A_545 = arith.constant 0 : i32
        %dma_start3A_546 = tpu.memref_slice %arg2[%dma_start3A_544, %dma_start3A_545] : memref<16384x2048xf32, #tpu.memory_space<hbm>> -> memref<16384x2048xf32, #tpu.memory_space<hbm>>
        tpu.enqueue_indirect_dma source(%dma_start3A_546 : memref<16384x2048xf32, #tpu.memory_space<hbm>>) target(%dma_start3A_542 : memref<8x2048xf32, #tpu.memory_space<vmem>>) offsets(%dma_start3A_543 : memref<8xi32, #tpu.memory_space<vmem>>) semaphore(%arg7 : memref<!tpu.dma_semaphore, #tpu.memory_space<semaphore_mem>>)
      } else {
      }
      %lt3A_310 = arith.constant 2 : i32
      %lt3A_311 = arith.cmpi slt, %add3A_273, %lt3A_310 : i32
      %add3A_312 = arith.constant 5 : i32
      %add3A_313 = arith.addi %add3A_273, %add3A_312 : i32
      %lt3A_314 = arith.constant 64 : i32
      %lt3A_315 = arith.cmpi slt, %add3A_313, %lt3A_314 : i32
      %and3A_316 = arith.andi %lt3A_311, %lt3A_315 : i1
      %convert_element_type3A_317 = arith.extui %and3A_316 : i1 to i32
      %cond3A_318 = arith.constant 0 : i32
      %cond3A_319 = arith.cmpi ne, %convert_element_type3A_317, %cond3A_318 : i32
      scf.if %cond3A_319 {
        %add3A_521 = arith.constant 5 : i32
        %add3A_522 = arith.addi %add3A_273, %add3A_521 : i32
        %mul3A_523 = arith.constant 8 : i32
        %mul3A_524 = arith.muli %add3A_522, %mul3A_523 : i32
        %dma_start3A_525 = arith.constant 0 : i32
        %dma_start3A_526 = arith.constant 0 : i32
        %dma_start3A_527 = arith.constant 0 : i32
        %dma_start3A_528 = tpu.memref_slice %arg6[%dma_start3A_525, %dma_start3A_526, %dma_start3A_527] : memref<7x8x2048xf32, #tpu.memory_space<vmem>> -> memref<1x8x2048xf32, #tpu.memory_space<vmem>>
        %dma_start3A_529 = tpu.memref_squeeze %dma_start3A_528 : memref<1x8x2048xf32, #tpu.memory_space<vmem>> -> memref<8x2048xf32, #tpu.memory_space<vmem>>
        %dma_start3A_530 = tpu.memref_slice %arg5[%mul3A_524] : memref<512xi32, #tpu.memory_space<vmem>> -> memref<8xi32, #tpu.memory_space<vmem>>
        %dma_start3A_531 = arith.constant 0 : i32
        %dma_start3A_532 = arith.constant 0 : i32
        %dma_start3A_533 = tpu.memref_slice %arg2[%dma_start3A_531, %dma_start3A_532] : memref<16384x2048xf32, #tpu.memory_space<hbm>> -> memref<16384x2048xf32, #tpu.memory_space<hbm>>
        tpu.enqueue_indirect_dma source(%dma_start3A_533 : memref<16384x2048xf32, #tpu.memory_space<hbm>>) target(%dma_start3A_529 : memref<8x2048xf32, #tpu.memory_space<vmem>>) offsets(%dma_start3A_530 : memref<8xi32, #tpu.memory_space<vmem>>) semaphore(%arg7 : memref<!tpu.dma_semaphore, #tpu.memory_space<semaphore_mem>>)
      } else {
      }
      %mul3A_320 = arith.constant 7 : i32
      %mul3A_321 = arith.muli %mul3A_320, %scan3A_173 : i32
      %add3A_322 = arith.constant 3 : i32
      %add3A_323 = arith.addi %mul3A_321, %add3A_322 : i32
      %dma_wait3A_324 = arith.constant 3 : i32
      %dma_wait3A_325 = arith.constant 0 : i32
      %dma_wait3A_326 = arith.constant 0 : i32
      %dma_wait3A_327 = tpu.memref_slice %arg6[%dma_wait3A_324, %dma_wait3A_325, %dma_wait3A_326] : memref<7x8x2048xf32, #tpu.memory_space<vmem>> -> memref<1x8x2048xf32, #tpu.memory_space<vmem>>
      %dma_wait3A_328 = tpu.memref_squeeze %dma_wait3A_327 : memref<1x8x2048xf32, #tpu.memory_space<vmem>> -> memref<8x2048xf32, #tpu.memory_space<vmem>>
      %dma_wait3A_329 = arith.constant 0 : i32
      %dma_wait3A_330 = tpu.memref_slice %arg5[%dma_wait3A_329] : memref<512xi32, #tpu.memory_space<vmem>> -> memref<8xi32, #tpu.memory_space<vmem>>
      %dma_wait3A_331 = arith.constant 0 : i32
      %dma_wait3A_332 = arith.constant 0 : i32
      %dma_wait3A_333 = tpu.memref_slice %arg2[%dma_wait3A_331, %dma_wait3A_332] : memref<16384x2048xf32, #tpu.memory_space<hbm>> -> memref<16384x2048xf32, #tpu.memory_space<hbm>>
      tpu.wait_indirect_dma semaphore(%arg10 : memref<!tpu.dma_semaphore, #tpu.memory_space<semaphore_mem>>) src(%dma_wait3A_333 : memref<16384x2048xf32, #tpu.memory_space<hbm>>) dst(%dma_wait3A_328 : memref<8x2048xf32, #tpu.memory_space<vmem>>)
      %mul3A_334 = arith.constant 8 : i32
      %mul3A_335 = arith.muli %add3A_323, %mul3A_334 : i32
      %add3A_336 = arith.addi %mul3A_2, %mul3A_335 : i32
      %dma_start3A_337 = arith.constant 3 : i32
      %dma_start3A_338 = arith.constant 0 : i32
      %dma_start3A_339 = arith.constant 0 : i32
      %dma_start3A_340 = tpu.memref_slice %arg6[%dma_start3A_337, %dma_start3A_338, %dma_start3A_339] : memref<7x8x2048xf32, #tpu.memory_space<vmem>> -> memref<1x8x2048xf32, #tpu.memory_space<vmem>>
      %dma_start3A_341 = tpu.memref_squeeze %dma_start3A_340 : memref<1x8x2048xf32, #tpu.memory_space<vmem>> -> memref<8x2048xf32, #tpu.memory_space<vmem>>
      %dma_start3A_342 = arith.constant 0 : i32
      %dma_start3A_343 = tpu.memref_slice %arg4[%add3A_336, %dma_start3A_342] : memref<16384x2048xf32, #tpu.memory_space<hbm>> -> memref<8x2048xf32, #tpu.memory_space<hbm>>
      %dma_start3A_344 = arith.constant 0 : i32
      %dma_start3A_345 = tpu.memref_slice %arg4[%add3A_336, %dma_start3A_344] : memref<16384x2048xf32, #tpu.memory_space<hbm>> -> memref<8x2048xf32, #tpu.memory_space<hbm>>
      %dma_start3A_346 = arith.constant 0 : i32
      %dma_start3A_347 = arith.constant 0 : i32
      %dma_start3A_348 = tpu.memref_slice %arg6[%dma_start3A_337, %dma_start3A_346, %dma_start3A_347] : memref<7x8x2048xf32, #tpu.memory_space<vmem>> -> memref<1x8x2048xf32, #tpu.memory_space<vmem>>
      %dma_start3A_349 = tpu.memref_squeeze %dma_start3A_348 : memref<1x8x2048xf32, #tpu.memory_space<vmem>> -> memref<8x2048xf32, #tpu.memory_space<vmem>>
      tpu.enqueue_dma source(%dma_start3A_349 : memref<8x2048xf32, #tpu.memory_space<vmem>>) target(%dma_start3A_345 : memref<8x2048xf32, #tpu.memory_space<hbm>>) target_semaphore(%arg17 : memref<!tpu.dma_semaphore, #tpu.memory_space<semaphore_mem>>)
      %ge3A_350 = arith.constant 2 : i32
      %ge3A_351 = arith.cmpi sge, %add3A_323, %ge3A_350 : i32
      %add3A_352 = arith.constant 5 : i32
      %add3A_353 = arith.addi %add3A_323, %add3A_352 : i32
      %lt3A_354 = arith.constant 64 : i32
      %lt3A_355 = arith.cmpi slt, %add3A_353, %lt3A_354 : i32
      %and3A_356 = arith.andi %ge3A_351, %lt3A_355 : i1
      %convert_element_type3A_357 = arith.extui %and3A_356 : i1 to i32
      %cond3A_358 = arith.constant 0 : i32
      %cond3A_359 = arith.cmpi ne, %convert_element_type3A_357, %cond3A_358 : i32
      scf.if %cond3A_359 {
        %dma_wait3A_521 = arith.constant 1 : i32
        %dma_wait3A_522 = arith.constant 0 : i32
        %dma_wait3A_523 = arith.constant 0 : i32
        %dma_wait3A_524 = tpu.memref_slice %arg6[%dma_wait3A_521, %dma_wait3A_522, %dma_wait3A_523] : memref<7x8x2048xf32, #tpu.memory_space<vmem>> -> memref<1x8x2048xf32, #tpu.memory_space<vmem>>
        %dma_wait3A_525 = tpu.memref_squeeze %dma_wait3A_524 : memref<1x8x2048xf32, #tpu.memory_space<vmem>> -> memref<8x2048xf32, #tpu.memory_space<vmem>>
        %dma_wait3A_526 = arith.constant 0 : i32
        %dma_wait3A_527 = tpu.memref_slice %arg4[%mul3A_2, %dma_wait3A_526] : memref<16384x2048xf32, #tpu.memory_space<hbm>> -> memref<8x2048xf32, #tpu.memory_space<hbm>>
        %dma_wait3A_528 = arith.constant 0 : i32
        %dma_wait3A_529 = tpu.memref_slice %arg4[%mul3A_2, %dma_wait3A_528] : memref<16384x2048xf32, #tpu.memory_space<hbm>> -> memref<8x2048xf32, #tpu.memory_space<hbm>>
        %dma_wait3A_530 = arith.constant 0 : i32
        %dma_wait3A_531 = arith.constant 0 : i32
        %dma_wait3A_532 = tpu.memref_slice %arg6[%dma_wait3A_521, %dma_wait3A_530, %dma_wait3A_531] : memref<7x8x2048xf32, #tpu.memory_space<vmem>> -> memref<1x8x2048xf32, #tpu.memory_space<vmem>>
        %dma_wait3A_533 = tpu.memref_squeeze %dma_wait3A_532 : memref<1x8x2048xf32, #tpu.memory_space<vmem>> -> memref<8x2048xf32, #tpu.memory_space<vmem>>
        tpu.wait_dma2 semaphore(%arg15 : memref<!tpu.dma_semaphore, #tpu.memory_space<semaphore_mem>>) src(%dma_wait3A_533 : memref<8x2048xf32, #tpu.memory_space<vmem>>) dst(%dma_wait3A_529 : memref<8x2048xf32, #tpu.memory_space<hbm>>)
        %add3A_534 = arith.constant 5 : i32
        %add3A_535 = arith.addi %add3A_323, %add3A_534 : i32
        %mul3A_536 = arith.constant 8 : i32
        %mul3A_537 = arith.muli %add3A_535, %mul3A_536 : i32
        %dma_start3A_538 = arith.constant 1 : i32
        %dma_start3A_539 = arith.constant 0 : i32
        %dma_start3A_540 = arith.constant 0 : i32
        %dma_start3A_541 = tpu.memref_slice %arg6[%dma_start3A_538, %dma_start3A_539, %dma_start3A_540] : memref<7x8x2048xf32, #tpu.memory_space<vmem>> -> memref<1x8x2048xf32, #tpu.memory_space<vmem>>
        %dma_start3A_542 = tpu.memref_squeeze %dma_start3A_541 : memref<1x8x2048xf32, #tpu.memory_space<vmem>> -> memref<8x2048xf32, #tpu.memory_space<vmem>>
        %dma_start3A_543 = tpu.memref_slice %arg5[%mul3A_537] : memref<512xi32, #tpu.memory_space<vmem>> -> memref<8xi32, #tpu.memory_space<vmem>>
        %dma_start3A_544 = arith.constant 0 : i32
        %dma_start3A_545 = arith.constant 0 : i32
        %dma_start3A_546 = tpu.memref_slice %arg2[%dma_start3A_544, %dma_start3A_545] : memref<16384x2048xf32, #tpu.memory_space<hbm>> -> memref<16384x2048xf32, #tpu.memory_space<hbm>>
        tpu.enqueue_indirect_dma source(%dma_start3A_546 : memref<16384x2048xf32, #tpu.memory_space<hbm>>) target(%dma_start3A_542 : memref<8x2048xf32, #tpu.memory_space<vmem>>) offsets(%dma_start3A_543 : memref<8xi32, #tpu.memory_space<vmem>>) semaphore(%arg8 : memref<!tpu.dma_semaphore, #tpu.memory_space<semaphore_mem>>)
      } else {
      }
      %lt3A_360 = arith.constant 2 : i32
      %lt3A_361 = arith.cmpi slt, %add3A_323, %lt3A_360 : i32
      %add3A_362 = arith.constant 5 : i32
      %add3A_363 = arith.addi %add3A_323, %add3A_362 : i32
      %lt3A_364 = arith.constant 64 : i32
      %lt3A_365 = arith.cmpi slt, %add3A_363, %lt3A_364 : i32
      %and3A_366 = arith.andi %lt3A_361, %lt3A_365 : i1
      %convert_element_type3A_367 = arith.extui %and3A_366 : i1 to i32
      %cond3A_368 = arith.constant 0 : i32
      %cond3A_369 = arith.cmpi ne, %convert_element_type3A_367, %cond3A_368 : i32
      scf.if %cond3A_369 {
        %add3A_521 = arith.constant 5 : i32
        %add3A_522 = arith.addi %add3A_323, %add3A_521 : i32
        %mul3A_523 = arith.constant 8 : i32
        %mul3A_524 = arith.muli %add3A_522, %mul3A_523 : i32
        %dma_start3A_525 = arith.constant 1 : i32
        %dma_start3A_526 = arith.constant 0 : i32
        %dma_start3A_527 = arith.constant 0 : i32
        %dma_start3A_528 = tpu.memref_slice %arg6[%dma_start3A_525, %dma_start3A_526, %dma_start3A_527] : memref<7x8x2048xf32, #tpu.memory_space<vmem>> -> memref<1x8x2048xf32, #tpu.memory_space<vmem>>
        %dma_start3A_529 = tpu.memref_squeeze %dma_start3A_528 : memref<1x8x2048xf32, #tpu.memory_space<vmem>> -> memref<8x2048xf32, #tpu.memory_space<vmem>>
        %dma_start3A_530 = tpu.memref_slice %arg5[%mul3A_524] : memref<512xi32, #tpu.memory_space<vmem>> -> memref<8xi32, #tpu.memory_space<vmem>>
        %dma_start3A_531 = arith.constant 0 : i32
        %dma_start3A_532 = arith.constant 0 : i32
        %dma_start3A_533 = tpu.memref_slice %arg2[%dma_start3A_531, %dma_start3A_532] : memref<16384x2048xf32, #tpu.memory_space<hbm>> -> memref<16384x2048xf32, #tpu.memory_space<hbm>>
        tpu.enqueue_indirect_dma source(%dma_start3A_533 : memref<16384x2048xf32, #tpu.memory_space<hbm>>) target(%dma_start3A_529 : memref<8x2048xf32, #tpu.memory_space<vmem>>) offsets(%dma_start3A_530 : memref<8xi32, #tpu.memory_space<vmem>>) semaphore(%arg8 : memref<!tpu.dma_semaphore, #tpu.memory_space<semaphore_mem>>)
      } else {
      }
      %mul3A_370 = arith.constant 7 : i32
      %mul3A_371 = arith.muli %mul3A_370, %scan3A_173 : i32
      %add3A_372 = arith.constant 4 : i32
      %add3A_373 = arith.addi %mul3A_371, %add3A_372 : i32
      %dma_wait3A_374 = arith.constant 4 : i32
      %dma_wait3A_375 = arith.constant 0 : i32
      %dma_wait3A_376 = arith.constant 0 : i32
      %dma_wait3A_377 = tpu.memref_slice %arg6[%dma_wait3A_374, %dma_wait3A_375, %dma_wait3A_376] : memref<7x8x2048xf32, #tpu.memory_space<vmem>> -> memref<1x8x2048xf32, #tpu.memory_space<vmem>>
      %dma_wait3A_378 = tpu.memref_squeeze %dma_wait3A_377 : memref<1x8x2048xf32, #tpu.memory_space<vmem>> -> memref<8x2048xf32, #tpu.memory_space<vmem>>
      %dma_wait3A_379 = arith.constant 0 : i32
      %dma_wait3A_380 = tpu.memref_slice %arg5[%dma_wait3A_379] : memref<512xi32, #tpu.memory_space<vmem>> -> memref<8xi32, #tpu.memory_space<vmem>>
      %dma_wait3A_381 = arith.constant 0 : i32
      %dma_wait3A_382 = arith.constant 0 : i32
      %dma_wait3A_383 = tpu.memref_slice %arg2[%dma_wait3A_381, %dma_wait3A_382] : memref<16384x2048xf32, #tpu.memory_space<hbm>> -> memref<16384x2048xf32, #tpu.memory_space<hbm>>
      tpu.wait_indirect_dma semaphore(%arg11 : memref<!tpu.dma_semaphore, #tpu.memory_space<semaphore_mem>>) src(%dma_wait3A_383 : memref<16384x2048xf32, #tpu.memory_space<hbm>>) dst(%dma_wait3A_378 : memref<8x2048xf32, #tpu.memory_space<vmem>>)
      %mul3A_384 = arith.constant 8 : i32
      %mul3A_385 = arith.muli %add3A_373, %mul3A_384 : i32
      %add3A_386 = arith.addi %mul3A_2, %mul3A_385 : i32
      %dma_start3A_387 = arith.constant 4 : i32
      %dma_start3A_388 = arith.constant 0 : i32
      %dma_start3A_389 = arith.constant 0 : i32
      %dma_start3A_390 = tpu.memref_slice %arg6[%dma_start3A_387, %dma_start3A_388, %dma_start3A_389] : memref<7x8x2048xf32, #tpu.memory_space<vmem>> -> memref<1x8x2048xf32, #tpu.memory_space<vmem>>
      %dma_start3A_391 = tpu.memref_squeeze %dma_start3A_390 : memref<1x8x2048xf32, #tpu.memory_space<vmem>> -> memref<8x2048xf32, #tpu.memory_space<vmem>>
      %dma_start3A_392 = arith.constant 0 : i32
      %dma_start3A_393 = tpu.memref_slice %arg4[%add3A_386, %dma_start3A_392] : memref<16384x2048xf32, #tpu.memory_space<hbm>> -> memref<8x2048xf32, #tpu.memory_space<hbm>>
      %dma_start3A_394 = arith.constant 0 : i32
      %dma_start3A_395 = tpu.memref_slice %arg4[%add3A_386, %dma_start3A_394] : memref<16384x2048xf32, #tpu.memory_space<hbm>> -> memref<8x2048xf32, #tpu.memory_space<hbm>>
      %dma_start3A_396 = arith.constant 0 : i32
      %dma_start3A_397 = arith.constant 0 : i32
      %dma_start3A_398 = tpu.memref_slice %arg6[%dma_start3A_387, %dma_start3A_396, %dma_start3A_397] : memref<7x8x2048xf32, #tpu.memory_space<vmem>> -> memref<1x8x2048xf32, #tpu.memory_space<vmem>>
      %dma_start3A_399 = tpu.memref_squeeze %dma_start3A_398 : memref<1x8x2048xf32, #tpu.memory_space<vmem>> -> memref<8x2048xf32, #tpu.memory_space<vmem>>
      tpu.enqueue_dma source(%dma_start3A_399 : memref<8x2048xf32, #tpu.memory_space<vmem>>) target(%dma_start3A_395 : memref<8x2048xf32, #tpu.memory_space<hbm>>) target_semaphore(%arg18 : memref<!tpu.dma_semaphore, #tpu.memory_space<semaphore_mem>>)
      %ge3A_400 = arith.constant 2 : i32
      %ge3A_401 = arith.cmpi sge, %add3A_373, %ge3A_400 : i32
      %add3A_402 = arith.constant 5 : i32
      %add3A_403 = arith.addi %add3A_373, %add3A_402 : i32
      %lt3A_404 = arith.constant 64 : i32
      %lt3A_405 = arith.cmpi slt, %add3A_403, %lt3A_404 : i32
      %and3A_406 = arith.andi %ge3A_401, %lt3A_405 : i1
      %convert_element_type3A_407 = arith.extui %and3A_406 : i1 to i32
      %cond3A_408 = arith.constant 0 : i32
      %cond3A_409 = arith.cmpi ne, %convert_element_type3A_407, %cond3A_408 : i32
      scf.if %cond3A_409 {
        %dma_wait3A_521 = arith.constant 2 : i32
        %dma_wait3A_522 = arith.constant 0 : i32
        %dma_wait3A_523 = arith.constant 0 : i32
        %dma_wait3A_524 = tpu.memref_slice %arg6[%dma_wait3A_521, %dma_wait3A_522, %dma_wait3A_523] : memref<7x8x2048xf32, #tpu.memory_space<vmem>> -> memref<1x8x2048xf32, #tpu.memory_space<vmem>>
        %dma_wait3A_525 = tpu.memref_squeeze %dma_wait3A_524 : memref<1x8x2048xf32, #tpu.memory_space<vmem>> -> memref<8x2048xf32, #tpu.memory_space<vmem>>
        %dma_wait3A_526 = arith.constant 0 : i32
        %dma_wait3A_527 = tpu.memref_slice %arg4[%mul3A_2, %dma_wait3A_526] : memref<16384x2048xf32, #tpu.memory_space<hbm>> -> memref<8x2048xf32, #tpu.memory_space<hbm>>
        %dma_wait3A_528 = arith.constant 0 : i32
        %dma_wait3A_529 = tpu.memref_slice %arg4[%mul3A_2, %dma_wait3A_528] : memref<16384x2048xf32, #tpu.memory_space<hbm>> -> memref<8x2048xf32, #tpu.memory_space<hbm>>
        %dma_wait3A_530 = arith.constant 0 : i32
        %dma_wait3A_531 = arith.constant 0 : i32
        %dma_wait3A_532 = tpu.memref_slice %arg6[%dma_wait3A_521, %dma_wait3A_530, %dma_wait3A_531] : memref<7x8x2048xf32, #tpu.memory_space<vmem>> -> memref<1x8x2048xf32, #tpu.memory_space<vmem>>
        %dma_wait3A_533 = tpu.memref_squeeze %dma_wait3A_532 : memref<1x8x2048xf32, #tpu.memory_space<vmem>> -> memref<8x2048xf32, #tpu.memory_space<vmem>>
        tpu.wait_dma2 semaphore(%arg16 : memref<!tpu.dma_semaphore, #tpu.memory_space<semaphore_mem>>) src(%dma_wait3A_533 : memref<8x2048xf32, #tpu.memory_space<vmem>>) dst(%dma_wait3A_529 : memref<8x2048xf32, #tpu.memory_space<hbm>>)
        %add3A_534 = arith.constant 5 : i32
        %add3A_535 = arith.addi %add3A_373, %add3A_534 : i32
        %mul3A_536 = arith.constant 8 : i32
        %mul3A_537 = arith.muli %add3A_535, %mul3A_536 : i32
        %dma_start3A_538 = arith.constant 2 : i32
        %dma_start3A_539 = arith.constant 0 : i32
        %dma_start3A_540 = arith.constant 0 : i32
        %dma_start3A_541 = tpu.memref_slice %arg6[%dma_start3A_538, %dma_start3A_539, %dma_start3A_540] : memref<7x8x2048xf32, #tpu.memory_space<vmem>> -> memref<1x8x2048xf32, #tpu.memory_space<vmem>>
        %dma_start3A_542 = tpu.memref_squeeze %dma_start3A_541 : memref<1x8x2048xf32, #tpu.memory_space<vmem>> -> memref<8x2048xf32, #tpu.memory_space<vmem>>
        %dma_start3A_543 = tpu.memref_slice %arg5[%mul3A_537] : memref<512xi32, #tpu.memory_space<vmem>> -> memref<8xi32, #tpu.memory_space<vmem>>
        %dma_start3A_544 = arith.constant 0 : i32
        %dma_start3A_545 = arith.constant 0 : i32
        %dma_start3A_546 = tpu.memref_slice %arg2[%dma_start3A_544, %dma_start3A_545] : memref<16384x2048xf32, #tpu.memory_space<hbm>> -> memref<16384x2048xf32, #tpu.memory_space<hbm>>
        tpu.enqueue_indirect_dma source(%dma_start3A_546 : memref<16384x2048xf32, #tpu.memory_space<hbm>>) target(%dma_start3A_542 : memref<8x2048xf32, #tpu.memory_space<vmem>>) offsets(%dma_start3A_543 : memref<8xi32, #tpu.memory_space<vmem>>) semaphore(%arg9 : memref<!tpu.dma_semaphore, #tpu.memory_space<semaphore_mem>>)
      } else {
      }
      %lt3A_410 = arith.constant 2 : i32
      %lt3A_411 = arith.cmpi slt, %add3A_373, %lt3A_410 : i32
      %add3A_412 = arith.constant 5 : i32
      %add3A_413 = arith.addi %add3A_373, %add3A_412 : i32
      %lt3A_414 = arith.constant 64 : i32
      %lt3A_415 = arith.cmpi slt, %add3A_413, %lt3A_414 : i32
      %and3A_416 = arith.andi %lt3A_411, %lt3A_415 : i1
      %convert_element_type3A_417 = arith.extui %and3A_416 : i1 to i32
      %cond3A_418 = arith.constant 0 : i32
      %cond3A_419 = arith.cmpi ne, %convert_element_type3A_417, %cond3A_418 : i32
      scf.if %cond3A_419 {
        %add3A_521 = arith.constant 5 : i32
        %add3A_522 = arith.addi %add3A_373, %add3A_521 : i32
        %mul3A_523 = arith.constant 8 : i32
        %mul3A_524 = arith.muli %add3A_522, %mul3A_523 : i32
        %dma_start3A_525 = arith.constant 2 : i32
        %dma_start3A_526 = arith.constant 0 : i32
        %dma_start3A_527 = arith.constant 0 : i32
        %dma_start3A_528 = tpu.memref_slice %arg6[%dma_start3A_525, %dma_start3A_526, %dma_start3A_527] : memref<7x8x2048xf32, #tpu.memory_space<vmem>> -> memref<1x8x2048xf32, #tpu.memory_space<vmem>>
        %dma_start3A_529 = tpu.memref_squeeze %dma_start3A_528 : memref<1x8x2048xf32, #tpu.memory_space<vmem>> -> memref<8x2048xf32, #tpu.memory_space<vmem>>
        %dma_start3A_530 = tpu.memref_slice %arg5[%mul3A_524] : memref<512xi32, #tpu.memory_space<vmem>> -> memref<8xi32, #tpu.memory_space<vmem>>
        %dma_start3A_531 = arith.constant 0 : i32
        %dma_start3A_532 = arith.constant 0 : i32
        %dma_start3A_533 = tpu.memref_slice %arg2[%dma_start3A_531, %dma_start3A_532] : memref<16384x2048xf32, #tpu.memory_space<hbm>> -> memref<16384x2048xf32, #tpu.memory_space<hbm>>
        tpu.enqueue_indirect_dma source(%dma_start3A_533 : memref<16384x2048xf32, #tpu.memory_space<hbm>>) target(%dma_start3A_529 : memref<8x2048xf32, #tpu.memory_space<vmem>>) offsets(%dma_start3A_530 : memref<8xi32, #tpu.memory_space<vmem>>) semaphore(%arg9 : memref<!tpu.dma_semaphore, #tpu.memory_space<semaphore_mem>>)
      } else {
      }
      %mul3A_420 = arith.constant 7 : i32
      %mul3A_421 = arith.muli %mul3A_420, %scan3A_173 : i32
      %add3A_422 = arith.constant 5 : i32
      %add3A_423 = arith.addi %mul3A_421, %add3A_422 : i32
      %dma_wait3A_424 = arith.constant 5 : i32
      %dma_wait3A_425 = arith.constant 0 : i32
      %dma_wait3A_426 = arith.constant 0 : i32
      %dma_wait3A_427 = tpu.memref_slice %arg6[%dma_wait3A_424, %dma_wait3A_425, %dma_wait3A_426] : memref<7x8x2048xf32, #tpu.memory_space<vmem>> -> memref<1x8x2048xf32, #tpu.memory_space<vmem>>
      %dma_wait3A_428 = tpu.memref_squeeze %dma_wait3A_427 : memref<1x8x2048xf32, #tpu.memory_space<vmem>> -> memref<8x2048xf32, #tpu.memory_space<vmem>>
      %dma_wait3A_429 = arith.constant 0 : i32
      %dma_wait3A_430 = tpu.memref_slice %arg5[%dma_wait3A_429] : memref<512xi32, #tpu.memory_space<vmem>> -> memref<8xi32, #tpu.memory_space<vmem>>
      %dma_wait3A_431 = arith.constant 0 : i32
      %dma_wait3A_432 = arith.constant 0 : i32
      %dma_wait3A_433 = tpu.memref_slice %arg2[%dma_wait3A_431, %dma_wait3A_432] : memref<16384x2048xf32, #tpu.memory_space<hbm>> -> memref<16384x2048xf32, #tpu.memory_space<hbm>>
      tpu.wait_indirect_dma semaphore(%arg12 : memref<!tpu.dma_semaphore, #tpu.memory_space<semaphore_mem>>) src(%dma_wait3A_433 : memref<16384x2048xf32, #tpu.memory_space<hbm>>) dst(%dma_wait3A_428 : memref<8x2048xf32, #tpu.memory_space<vmem>>)
      %mul3A_434 = arith.constant 8 : i32
      %mul3A_435 = arith.muli %add3A_423, %mul3A_434 : i32
      %add3A_436 = arith.addi %mul3A_2, %mul3A_435 : i32
      %dma_start3A_437 = arith.constant 5 : i32
      %dma_start3A_438 = arith.constant 0 : i32
      %dma_start3A_439 = arith.constant 0 : i32
      %dma_start3A_440 = tpu.memref_slice %arg6[%dma_start3A_437, %dma_start3A_438, %dma_start3A_439] : memref<7x8x2048xf32, #tpu.memory_space<vmem>> -> memref<1x8x2048xf32, #tpu.memory_space<vmem>>
      %dma_start3A_441 = tpu.memref_squeeze %dma_start3A_440 : memref<1x8x2048xf32, #tpu.memory_space<vmem>> -> memref<8x2048xf32, #tpu.memory_space<vmem>>
      %dma_start3A_442 = arith.constant 0 : i32
      %dma_start3A_443 = tpu.memref_slice %arg4[%add3A_436, %dma_start3A_442] : memref<16384x2048xf32, #tpu.memory_space<hbm>> -> memref<8x2048xf32, #tpu.memory_space<hbm>>
      %dma_start3A_444 = arith.constant 0 : i32
      %dma_start3A_445 = tpu.memref_slice %arg4[%add3A_436, %dma_start3A_444] : memref<16384x2048xf32, #tpu.memory_space<hbm>> -> memref<8x2048xf32, #tpu.memory_space<hbm>>
      %dma_start3A_446 = arith.constant 0 : i32
      %dma_start3A_447 = arith.constant 0 : i32
      %dma_start3A_448 = tpu.memref_slice %arg6[%dma_start3A_437, %dma_start3A_446, %dma_start3A_447] : memref<7x8x2048xf32, #tpu.memory_space<vmem>> -> memref<1x8x2048xf32, #tpu.memory_space<vmem>>
      %dma_start3A_449 = tpu.memref_squeeze %dma_start3A_448 : memref<1x8x2048xf32, #tpu.memory_space<vmem>> -> memref<8x2048xf32, #tpu.memory_space<vmem>>
      tpu.enqueue_dma source(%dma_start3A_449 : memref<8x2048xf32, #tpu.memory_space<vmem>>) target(%dma_start3A_445 : memref<8x2048xf32, #tpu.memory_space<hbm>>) target_semaphore(%arg19 : memref<!tpu.dma_semaphore, #tpu.memory_space<semaphore_mem>>)
      %ge3A_450 = arith.constant 2 : i32
      %ge3A_451 = arith.cmpi sge, %add3A_423, %ge3A_450 : i32
      %add3A_452 = arith.constant 5 : i32
      %add3A_453 = arith.addi %add3A_423, %add3A_452 : i32
      %lt3A_454 = arith.constant 64 : i32
      %lt3A_455 = arith.cmpi slt, %add3A_453, %lt3A_454 : i32
      %and3A_456 = arith.andi %ge3A_451, %lt3A_455 : i1
      %convert_element_type3A_457 = arith.extui %and3A_456 : i1 to i32
      %cond3A_458 = arith.constant 0 : i32
      %cond3A_459 = arith.cmpi ne, %convert_element_type3A_457, %cond3A_458 : i32
      scf.if %cond3A_459 {
        %dma_wait3A_521 = arith.constant 3 : i32
        %dma_wait3A_522 = arith.constant 0 : i32
        %dma_wait3A_523 = arith.constant 0 : i32
        %dma_wait3A_524 = tpu.memref_slice %arg6[%dma_wait3A_521, %dma_wait3A_522, %dma_wait3A_523] : memref<7x8x2048xf32, #tpu.memory_space<vmem>> -> memref<1x8x2048xf32, #tpu.memory_space<vmem>>
        %dma_wait3A_525 = tpu.memref_squeeze %dma_wait3A_524 : memref<1x8x2048xf32, #tpu.memory_space<vmem>> -> memref<8x2048xf32, #tpu.memory_space<vmem>>
        %dma_wait3A_526 = arith.constant 0 : i32
        %dma_wait3A_527 = tpu.memref_slice %arg4[%mul3A_2, %dma_wait3A_526] : memref<16384x2048xf32, #tpu.memory_space<hbm>> -> memref<8x2048xf32, #tpu.memory_space<hbm>>
        %dma_wait3A_528 = arith.constant 0 : i32
        %dma_wait3A_529 = tpu.memref_slice %arg4[%mul3A_2, %dma_wait3A_528] : memref<16384x2048xf32, #tpu.memory_space<hbm>> -> memref<8x2048xf32, #tpu.memory_space<hbm>>
        %dma_wait3A_530 = arith.constant 0 : i32
        %dma_wait3A_531 = arith.constant 0 : i32
        %dma_wait3A_532 = tpu.memref_slice %arg6[%dma_wait3A_521, %dma_wait3A_530, %dma_wait3A_531] : memref<7x8x2048xf32, #tpu.memory_space<vmem>> -> memref<1x8x2048xf32, #tpu.memory_space<vmem>>
        %dma_wait3A_533 = tpu.memref_squeeze %dma_wait3A_532 : memref<1x8x2048xf32, #tpu.memory_space<vmem>> -> memref<8x2048xf32, #tpu.memory_space<vmem>>
        tpu.wait_dma2 semaphore(%arg17 : memref<!tpu.dma_semaphore, #tpu.memory_space<semaphore_mem>>) src(%dma_wait3A_533 : memref<8x2048xf32, #tpu.memory_space<vmem>>) dst(%dma_wait3A_529 : memref<8x2048xf32, #tpu.memory_space<hbm>>)
        %add3A_534 = arith.constant 5 : i32
        %add3A_535 = arith.addi %add3A_423, %add3A_534 : i32
        %mul3A_536 = arith.constant 8 : i32
        %mul3A_537 = arith.muli %add3A_535, %mul3A_536 : i32
        %dma_start3A_538 = arith.constant 3 : i32
        %dma_start3A_539 = arith.constant 0 : i32
        %dma_start3A_540 = arith.constant 0 : i32
        %dma_start3A_541 = tpu.memref_slice %arg6[%dma_start3A_538, %dma_start3A_539, %dma_start3A_540] : memref<7x8x2048xf32, #tpu.memory_space<vmem>> -> memref<1x8x2048xf32, #tpu.memory_space<vmem>>
        %dma_start3A_542 = tpu.memref_squeeze %dma_start3A_541 : memref<1x8x2048xf32, #tpu.memory_space<vmem>> -> memref<8x2048xf32, #tpu.memory_space<vmem>>
        %dma_start3A_543 = tpu.memref_slice %arg5[%mul3A_537] : memref<512xi32, #tpu.memory_space<vmem>> -> memref<8xi32, #tpu.memory_space<vmem>>
        %dma_start3A_544 = arith.constant 0 : i32
        %dma_start3A_545 = arith.constant 0 : i32
        %dma_start3A_546 = tpu.memref_slice %arg2[%dma_start3A_544, %dma_start3A_545] : memref<16384x2048xf32, #tpu.memory_space<hbm>> -> memref<16384x2048xf32, #tpu.memory_space<hbm>>
        tpu.enqueue_indirect_dma source(%dma_start3A_546 : memref<16384x2048xf32, #tpu.memory_space<hbm>>) target(%dma_start3A_542 : memref<8x2048xf32, #tpu.memory_space<vmem>>) offsets(%dma_start3A_543 : memref<8xi32, #tpu.memory_space<vmem>>) semaphore(%arg10 : memref<!tpu.dma_semaphore, #tpu.memory_space<semaphore_mem>>)
      } else {
      }
      %lt3A_460 = arith.constant 2 : i32
      %lt3A_461 = arith.cmpi slt, %add3A_423, %lt3A_460 : i32
      %add3A_462 = arith.constant 5 : i32
      %add3A_463 = arith.addi %add3A_423, %add3A_462 : i32
      %lt3A_464 = arith.constant 64 : i32
      %lt3A_465 = arith.cmpi slt, %add3A_463, %lt3A_464 : i32
      %and3A_466 = arith.andi %lt3A_461, %lt3A_465 : i1
      %convert_element_type3A_467 = arith.extui %and3A_466 : i1 to i32
      %cond3A_468 = arith.constant 0 : i32
      %cond3A_469 = arith.cmpi ne, %convert_element_type3A_467, %cond3A_468 : i32
      scf.if %cond3A_469 {
        %add3A_521 = arith.constant 5 : i32
        %add3A_522 = arith.addi %add3A_423, %add3A_521 : i32
        %mul3A_523 = arith.constant 8 : i32
        %mul3A_524 = arith.muli %add3A_522, %mul3A_523 : i32
        %dma_start3A_525 = arith.constant 3 : i32
        %dma_start3A_526 = arith.constant 0 : i32
        %dma_start3A_527 = arith.constant 0 : i32
        %dma_start3A_528 = tpu.memref_slice %arg6[%dma_start3A_525, %dma_start3A_526, %dma_start3A_527] : memref<7x8x2048xf32, #tpu.memory_space<vmem>> -> memref<1x8x2048xf32, #tpu.memory_space<vmem>>
        %dma_start3A_529 = tpu.memref_squeeze %dma_start3A_528 : memref<1x8x2048xf32, #tpu.memory_space<vmem>> -> memref<8x2048xf32, #tpu.memory_space<vmem>>
        %dma_start3A_530 = tpu.memref_slice %arg5[%mul3A_524] : memref<512xi32, #tpu.memory_space<vmem>> -> memref<8xi32, #tpu.memory_space<vmem>>
        %dma_start3A_531 = arith.constant 0 : i32
        %dma_start3A_532 = arith.constant 0 : i32
        %dma_start3A_533 = tpu.memref_slice %arg2[%dma_start3A_531, %dma_start3A_532] : memref<16384x2048xf32, #tpu.memory_space<hbm>> -> memref<16384x2048xf32, #tpu.memory_space<hbm>>
        tpu.enqueue_indirect_dma source(%dma_start3A_533 : memref<16384x2048xf32, #tpu.memory_space<hbm>>) target(%dma_start3A_529 : memref<8x2048xf32, #tpu.memory_space<vmem>>) offsets(%dma_start3A_530 : memref<8xi32, #tpu.memory_space<vmem>>) semaphore(%arg10 : memref<!tpu.dma_semaphore, #tpu.memory_space<semaphore_mem>>)
      } else {
      }
      %mul3A_470 = arith.constant 7 : i32
      %mul3A_471 = arith.muli %mul3A_470, %scan3A_173 : i32
      %add3A_472 = arith.constant 6 : i32
      %add3A_473 = arith.addi %mul3A_471, %add3A_472 : i32
      %dma_wait3A_474 = arith.constant 6 : i32
      %dma_wait3A_475 = arith.constant 0 : i32
      %dma_wait3A_476 = arith.constant 0 : i32
      %dma_wait3A_477 = tpu.memref_slice %arg6[%dma_wait3A_474, %dma_wait3A_475, %dma_wait3A_476] : memref<7x8x2048xf32, #tpu.memory_space<vmem>> -> memref<1x8x2048xf32, #tpu.memory_space<vmem>>
      %dma_wait3A_478 = tpu.memref_squeeze %dma_wait3A_477 : memref<1x8x2048xf32, #tpu.memory_space<vmem>> -> memref<8x2048xf32, #tpu.memory_space<vmem>>
      %dma_wait3A_479 = arith.constant 0 : i32
      %dma_wait3A_480 = tpu.memref_slice %arg5[%dma_wait3A_479] : memref<512xi32, #tpu.memory_space<vmem>> -> memref<8xi32, #tpu.memory_space<vmem>>
      %dma_wait3A_481 = arith.constant 0 : i32
      %dma_wait3A_482 = arith.constant 0 : i32
      %dma_wait3A_483 = tpu.memref_slice %arg2[%dma_wait3A_481, %dma_wait3A_482] : memref<16384x2048xf32, #tpu.memory_space<hbm>> -> memref<16384x2048xf32, #tpu.memory_space<hbm>>
      tpu.wait_indirect_dma semaphore(%arg13 : memref<!tpu.dma_semaphore, #tpu.memory_space<semaphore_mem>>) src(%dma_wait3A_483 : memref<16384x2048xf32, #tpu.memory_space<hbm>>) dst(%dma_wait3A_478 : memref<8x2048xf32, #tpu.memory_space<vmem>>)
      %mul3A_484 = arith.constant 8 : i32
      %mul3A_485 = arith.muli %add3A_473, %mul3A_484 : i32
      %add3A_486 = arith.addi %mul3A_2, %mul3A_485 : i32
      %dma_start3A_487 = arith.constant 6 : i32
      %dma_start3A_488 = arith.constant 0 : i32
      %dma_start3A_489 = arith.constant 0 : i32
      %dma_start3A_490 = tpu.memref_slice %arg6[%dma_start3A_487, %dma_start3A_488, %dma_start3A_489] : memref<7x8x2048xf32, #tpu.memory_space<vmem>> -> memref<1x8x2048xf32, #tpu.memory_space<vmem>>
      %dma_start3A_491 = tpu.memref_squeeze %dma_start3A_490 : memref<1x8x2048xf32, #tpu.memory_space<vmem>> -> memref<8x2048xf32, #tpu.memory_space<vmem>>
      %dma_start3A_492 = arith.constant 0 : i32
      %dma_start3A_493 = tpu.memref_slice %arg4[%add3A_486, %dma_start3A_492] : memref<16384x2048xf32, #tpu.memory_space<hbm>> -> memref<8x2048xf32, #tpu.memory_space<hbm>>
      %dma_start3A_494 = arith.constant 0 : i32
      %dma_start3A_495 = tpu.memref_slice %arg4[%add3A_486, %dma_start3A_494] : memref<16384x2048xf32, #tpu.memory_space<hbm>> -> memref<8x2048xf32, #tpu.memory_space<hbm>>
      %dma_start3A_496 = arith.constant 0 : i32
      %dma_start3A_497 = arith.constant 0 : i32
      %dma_start3A_498 = tpu.memref_slice %arg6[%dma_start3A_487, %dma_start3A_496, %dma_start3A_497] : memref<7x8x2048xf32, #tpu.memory_space<vmem>> -> memref<1x8x2048xf32, #tpu.memory_space<vmem>>
      %dma_start3A_499 = tpu.memref_squeeze %dma_start3A_498 : memref<1x8x2048xf32, #tpu.memory_space<vmem>> -> memref<8x2048xf32, #tpu.memory_space<vmem>>
      tpu.enqueue_dma source(%dma_start3A_499 : memref<8x2048xf32, #tpu.memory_space<vmem>>) target(%dma_start3A_495 : memref<8x2048xf32, #tpu.memory_space<hbm>>) target_semaphore(%arg20 : memref<!tpu.dma_semaphore, #tpu.memory_space<semaphore_mem>>)
      %ge3A_500 = arith.constant 2 : i32
      %ge3A_501 = arith.cmpi sge, %add3A_473, %ge3A_500 : i32
      %add3A_502 = arith.constant 5 : i32
      %add3A_503 = arith.addi %add3A_473, %add3A_502 : i32
      %lt3A_504 = arith.constant 64 : i32
      %lt3A_505 = arith.cmpi slt, %add3A_503, %lt3A_504 : i32
      %and3A_506 = arith.andi %ge3A_501, %lt3A_505 : i1
      %convert_element_type3A_507 = arith.extui %and3A_506 : i1 to i32
      %cond3A_508 = arith.constant 0 : i32
      %cond3A_509 = arith.cmpi ne, %convert_element_type3A_507, %cond3A_508 : i32
      scf.if %cond3A_509 {
        %dma_wait3A_521 = arith.constant 4 : i32
        %dma_wait3A_522 = arith.constant 0 : i32
        %dma_wait3A_523 = arith.constant 0 : i32
        %dma_wait3A_524 = tpu.memref_slice %arg6[%dma_wait3A_521, %dma_wait3A_522, %dma_wait3A_523] : memref<7x8x2048xf32, #tpu.memory_space<vmem>> -> memref<1x8x2048xf32, #tpu.memory_space<vmem>>
        %dma_wait3A_525 = tpu.memref_squeeze %dma_wait3A_524 : memref<1x8x2048xf32, #tpu.memory_space<vmem>> -> memref<8x2048xf32, #tpu.memory_space<vmem>>
        %dma_wait3A_526 = arith.constant 0 : i32
        %dma_wait3A_527 = tpu.memref_slice %arg4[%mul3A_2, %dma_wait3A_526] : memref<16384x2048xf32, #tpu.memory_space<hbm>> -> memref<8x2048xf32, #tpu.memory_space<hbm>>
        %dma_wait3A_528 = arith.constant 0 : i32
        %dma_wait3A_529 = tpu.memref_slice %arg4[%mul3A_2, %dma_wait3A_528] : memref<16384x2048xf32, #tpu.memory_space<hbm>> -> memref<8x2048xf32, #tpu.memory_space<hbm>>
        %dma_wait3A_530 = arith.constant 0 : i32
        %dma_wait3A_531 = arith.constant 0 : i32
        %dma_wait3A_532 = tpu.memref_slice %arg6[%dma_wait3A_521, %dma_wait3A_530, %dma_wait3A_531] : memref<7x8x2048xf32, #tpu.memory_space<vmem>> -> memref<1x8x2048xf32, #tpu.memory_space<vmem>>
        %dma_wait3A_533 = tpu.memref_squeeze %dma_wait3A_532 : memref<1x8x2048xf32, #tpu.memory_space<vmem>> -> memref<8x2048xf32, #tpu.memory_space<vmem>>
        tpu.wait_dma2 semaphore(%arg18 : memref<!tpu.dma_semaphore, #tpu.memory_space<semaphore_mem>>) src(%dma_wait3A_533 : memref<8x2048xf32, #tpu.memory_space<vmem>>) dst(%dma_wait3A_529 : memref<8x2048xf32, #tpu.memory_space<hbm>>)
        %add3A_534 = arith.constant 5 : i32
        %add3A_535 = arith.addi %add3A_473, %add3A_534 : i32
        %mul3A_536 = arith.constant 8 : i32
        %mul3A_537 = arith.muli %add3A_535, %mul3A_536 : i32
        %dma_start3A_538 = arith.constant 4 : i32
        %dma_start3A_539 = arith.constant 0 : i32
        %dma_start3A_540 = arith.constant 0 : i32
        %dma_start3A_541 = tpu.memref_slice %arg6[%dma_start3A_538, %dma_start3A_539, %dma_start3A_540] : memref<7x8x2048xf32, #tpu.memory_space<vmem>> -> memref<1x8x2048xf32, #tpu.memory_space<vmem>>
        %dma_start3A_542 = tpu.memref_squeeze %dma_start3A_541 : memref<1x8x2048xf32, #tpu.memory_space<vmem>> -> memref<8x2048xf32, #tpu.memory_space<vmem>>
        %dma_start3A_543 = tpu.memref_slice %arg5[%mul3A_537] : memref<512xi32, #tpu.memory_space<vmem>> -> memref<8xi32, #tpu.memory_space<vmem>>
        %dma_start3A_544 = arith.constant 0 : i32
        %dma_start3A_545 = arith.constant 0 : i32
        %dma_start3A_546 = tpu.memref_slice %arg2[%dma_start3A_544, %dma_start3A_545] : memref<16384x2048xf32, #tpu.memory_space<hbm>> -> memref<16384x2048xf32, #tpu.memory_space<hbm>>
        tpu.enqueue_indirect_dma source(%dma_start3A_546 : memref<16384x2048xf32, #tpu.memory_space<hbm>>) target(%dma_start3A_542 : memref<8x2048xf32, #tpu.memory_space<vmem>>) offsets(%dma_start3A_543 : memref<8xi32, #tpu.memory_space<vmem>>) semaphore(%arg11 : memref<!tpu.dma_semaphore, #tpu.memory_space<semaphore_mem>>)
      } else {
      }
      %lt3A_510 = arith.constant 2 : i32
      %lt3A_511 = arith.cmpi slt, %add3A_473, %lt3A_510 : i32
      %add3A_512 = arith.constant 5 : i32
      %add3A_513 = arith.addi %add3A_473, %add3A_512 : i32
      %lt3A_514 = arith.constant 64 : i32
      %lt3A_515 = arith.cmpi slt, %add3A_513, %lt3A_514 : i32
      %and3A_516 = arith.andi %lt3A_511, %lt3A_515 : i1
      %convert_element_type3A_517 = arith.extui %and3A_516 : i1 to i32
      %cond3A_518 = arith.constant 0 : i32
      %cond3A_519 = arith.cmpi ne, %convert_element_type3A_517, %cond3A_518 : i32
      scf.if %cond3A_519 {
        %add3A_521 = arith.constant 5 : i32
        %add3A_522 = arith.addi %add3A_473, %add3A_521 : i32
        %mul3A_523 = arith.constant 8 : i32
        %mul3A_524 = arith.muli %add3A_522, %mul3A_523 : i32
        %dma_start3A_525 = arith.constant 4 : i32
        %dma_start3A_526 = arith.constant 0 : i32
        %dma_start3A_527 = arith.constant 0 : i32
        %dma_start3A_528 = tpu.memref_slice %arg6[%dma_start3A_525, %dma_start3A_526, %dma_start3A_527] : memref<7x8x2048xf32, #tpu.memory_space<vmem>> -> memref<1x8x2048xf32, #tpu.memory_space<vmem>>
        %dma_start3A_529 = tpu.memref_squeeze %dma_start3A_528 : memref<1x8x2048xf32, #tpu.memory_space<vmem>> -> memref<8x2048xf32, #tpu.memory_space<vmem>>
        %dma_start3A_530 = tpu.memref_slice %arg5[%mul3A_524] : memref<512xi32, #tpu.memory_space<vmem>> -> memref<8xi32, #tpu.memory_space<vmem>>
        %dma_start3A_531 = arith.constant 0 : i32
        %dma_start3A_532 = arith.constant 0 : i32
        %dma_start3A_533 = tpu.memref_slice %arg2[%dma_start3A_531, %dma_start3A_532] : memref<16384x2048xf32, #tpu.memory_space<hbm>> -> memref<16384x2048xf32, #tpu.memory_space<hbm>>
        tpu.enqueue_indirect_dma source(%dma_start3A_533 : memref<16384x2048xf32, #tpu.memory_space<hbm>>) target(%dma_start3A_529 : memref<8x2048xf32, #tpu.memory_space<vmem>>) offsets(%dma_start3A_530 : memref<8xi32, #tpu.memory_space<vmem>>) semaphore(%arg11 : memref<!tpu.dma_semaphore, #tpu.memory_space<semaphore_mem>>)
      } else {
      }
      %scan3A_520 = arith.constant 0 : i32
      scf.yield %scan3A_520 : i32
    }
    %scan3A_57 = arith.constant 9 : i32
    %dma_wait3A = arith.constant 0 : i32
    %dma_wait3A_58 = arith.constant 0 : i32
    %dma_wait3A_59 = arith.constant 0 : i32
    %dma_wait3A_60 = tpu.memref_slice %arg6[%dma_wait3A, %dma_wait3A_58, %dma_wait3A_59] : memref<7x8x2048xf32, #tpu.memory_space<vmem>> -> memref<1x8x2048xf32, #tpu.memory_space<vmem>>
    %dma_wait3A_61 = tpu.memref_squeeze %dma_wait3A_60 : memref<1x8x2048xf32, #tpu.memory_space<vmem>> -> memref<8x2048xf32, #tpu.memory_space<vmem>>
    %dma_wait3A_62 = arith.constant 0 : i32
    %dma_wait3A_63 = tpu.memref_slice %arg5[%dma_wait3A_62] : memref<512xi32, #tpu.memory_space<vmem>> -> memref<8xi32, #tpu.memory_space<vmem>>
    %dma_wait3A_64 = arith.constant 0 : i32
    %dma_wait3A_65 = arith.constant 0 : i32
    %dma_wait3A_66 = tpu.memref_slice %arg2[%dma_wait3A_64, %dma_wait3A_65] : memref<16384x2048xf32, #tpu.memory_space<hbm>> -> memref<16384x2048xf32, #tpu.memory_space<hbm>>
    tpu.wait_indirect_dma semaphore(%arg7 : memref<!tpu.dma_semaphore, #tpu.memory_space<semaphore_mem>>) src(%dma_wait3A_66 : memref<16384x2048xf32, #tpu.memory_space<hbm>>) dst(%dma_wait3A_61 : memref<8x2048xf32, #tpu.memory_space<vmem>>)
    %add3A_67 = arith.constant 504 : i32
    %add3A_68 = arith.addi %mul3A_2, %add3A_67 : i32
    %dma_start3A_69 = arith.constant 0 : i32
    %dma_start3A_70 = arith.constant 0 : i32
    %dma_start3A_71 = arith.constant 0 : i32
    %dma_start3A_72 = tpu.memref_slice %arg6[%dma_start3A_69, %dma_start3A_70, %dma_start3A_71] : memref<7x8x2048xf32, #tpu.memory_space<vmem>> -> memref<1x8x2048xf32, #tpu.memory_space<vmem>>
    %dma_start3A_73 = tpu.memref_squeeze %dma_start3A_72 : memref<1x8x2048xf32, #tpu.memory_space<vmem>> -> memref<8x2048xf32, #tpu.memory_space<vmem>>
    %dma_start3A_74 = arith.constant 0 : i32
    %dma_start3A_75 = tpu.memref_slice %arg4[%add3A_68, %dma_start3A_74] : memref<16384x2048xf32, #tpu.memory_space<hbm>> -> memref<8x2048xf32, #tpu.memory_space<hbm>>
    %dma_start3A_76 = arith.constant 0 : i32
    %dma_start3A_77 = tpu.memref_slice %arg4[%add3A_68, %dma_start3A_76] : memref<16384x2048xf32, #tpu.memory_space<hbm>> -> memref<8x2048xf32, #tpu.memory_space<hbm>>
    %dma_start3A_78 = arith.constant 0 : i32
    %dma_start3A_79 = arith.constant 0 : i32
    %dma_start3A_80 = tpu.memref_slice %arg6[%dma_start3A_69, %dma_start3A_78, %dma_start3A_79] : memref<7x8x2048xf32, #tpu.memory_space<vmem>> -> memref<1x8x2048xf32, #tpu.memory_space<vmem>>
    %dma_start3A_81 = tpu.memref_squeeze %dma_start3A_80 : memref<1x8x2048xf32, #tpu.memory_space<vmem>> -> memref<8x2048xf32, #tpu.memory_space<vmem>>
    tpu.enqueue_dma source(%dma_start3A_81 : memref<8x2048xf32, #tpu.memory_space<vmem>>) target(%dma_start3A_77 : memref<8x2048xf32, #tpu.memory_space<hbm>>) target_semaphore(%arg14 : memref<!tpu.dma_semaphore, #tpu.memory_space<semaphore_mem>>)
    %dma_wait3A_82 = arith.constant 0 : i32
    %dma_wait3A_83 = arith.constant 0 : i32
    %dma_wait3A_84 = arith.constant 0 : i32
    %dma_wait3A_85 = tpu.memref_slice %arg6[%dma_wait3A_82, %dma_wait3A_83, %dma_wait3A_84] : memref<7x8x2048xf32, #tpu.memory_space<vmem>> -> memref<1x8x2048xf32, #tpu.memory_space<vmem>>
    %dma_wait3A_86 = tpu.memref_squeeze %dma_wait3A_85 : memref<1x8x2048xf32, #tpu.memory_space<vmem>> -> memref<8x2048xf32, #tpu.memory_space<vmem>>
    %dma_wait3A_87 = arith.constant 0 : i32
    %dma_wait3A_88 = tpu.memref_slice %arg4[%mul3A_2, %dma_wait3A_87] : memref<16384x2048xf32, #tpu.memory_space<hbm>> -> memref<8x2048xf32, #tpu.memory_space<hbm>>
    %dma_wait3A_89 = arith.constant 0 : i32
    %dma_wait3A_90 = tpu.memref_slice %arg4[%mul3A_2, %dma_wait3A_89] : memref<16384x2048xf32, #tpu.memory_space<hbm>> -> memref<8x2048xf32, #tpu.memory_space<hbm>>
    %dma_wait3A_91 = arith.constant 0 : i32
    %dma_wait3A_92 = arith.constant 0 : i32
    %dma_wait3A_93 = tpu.memref_slice %arg6[%dma_wait3A_82, %dma_wait3A_91, %dma_wait3A_92] : memref<7x8x2048xf32, #tpu.memory_space<vmem>> -> memref<1x8x2048xf32, #tpu.memory_space<vmem>>
    %dma_wait3A_94 = tpu.memref_squeeze %dma_wait3A_93 : memref<1x8x2048xf32, #tpu.memory_space<vmem>> -> memref<8x2048xf32, #tpu.memory_space<vmem>>
    tpu.wait_dma2 semaphore(%arg14 : memref<!tpu.dma_semaphore, #tpu.memory_space<semaphore_mem>>) src(%dma_wait3A_94 : memref<8x2048xf32, #tpu.memory_space<vmem>>) dst(%dma_wait3A_90 : memref<8x2048xf32, #tpu.memory_space<hbm>>)
    %dma_wait3A_95 = arith.constant 1 : i32
    %dma_wait3A_96 = arith.constant 0 : i32
    %dma_wait3A_97 = arith.constant 0 : i32
    %dma_wait3A_98 = tpu.memref_slice %arg6[%dma_wait3A_95, %dma_wait3A_96, %dma_wait3A_97] : memref<7x8x2048xf32, #tpu.memory_space<vmem>> -> memref<1x8x2048xf32, #tpu.memory_space<vmem>>
    %dma_wait3A_99 = tpu.memref_squeeze %dma_wait3A_98 : memref<1x8x2048xf32, #tpu.memory_space<vmem>> -> memref<8x2048xf32, #tpu.memory_space<vmem>>
    %dma_wait3A_100 = arith.constant 0 : i32
    %dma_wait3A_101 = tpu.memref_slice %arg4[%mul3A_2, %dma_wait3A_100] : memref<16384x2048xf32, #tpu.memory_space<hbm>> -> memref<8x2048xf32, #tpu.memory_space<hbm>>
    %dma_wait3A_102 = arith.constant 0 : i32
    %dma_wait3A_103 = tpu.memref_slice %arg4[%mul3A_2, %dma_wait3A_102] : memref<16384x2048xf32, #tpu.memory_space<hbm>> -> memref<8x2048xf32, #tpu.memory_space<hbm>>
    %dma_wait3A_104 = arith.constant 0 : i32
    %dma_wait3A_105 = arith.constant 0 : i32
    %dma_wait3A_106 = tpu.memref_slice %arg6[%dma_wait3A_95, %dma_wait3A_104, %dma_wait3A_105] : memref<7x8x2048xf32, #tpu.memory_space<vmem>> -> memref<1x8x2048xf32, #tpu.memory_space<vmem>>
    %dma_wait3A_107 = tpu.memref_squeeze %dma_wait3A_106 : memref<1x8x2048xf32, #tpu.memory_space<vmem>> -> memref<8x2048xf32, #tpu.memory_space<vmem>>
    tpu.wait_dma2 semaphore(%arg15 : memref<!tpu.dma_semaphore, #tpu.memory_space<semaphore_mem>>) src(%dma_wait3A_107 : memref<8x2048xf32, #tpu.memory_space<vmem>>) dst(%dma_wait3A_103 : memref<8x2048xf32, #tpu.memory_space<hbm>>)
    %dma_wait3A_108 = arith.constant 2 : i32
    %dma_wait3A_109 = arith.constant 0 : i32
    %dma_wait3A_110 = arith.constant 0 : i32
    %dma_wait3A_111 = tpu.memref_slice %arg6[%dma_wait3A_108, %dma_wait3A_109, %dma_wait3A_110] : memref<7x8x2048xf32, #tpu.memory_space<vmem>> -> memref<1x8x2048xf32, #tpu.memory_space<vmem>>
    %dma_wait3A_112 = tpu.memref_squeeze %dma_wait3A_111 : memref<1x8x2048xf32, #tpu.memory_space<vmem>> -> memref<8x2048xf32, #tpu.memory_space<vmem>>
    %dma_wait3A_113 = arith.constant 0 : i32
    %dma_wait3A_114 = tpu.memref_slice %arg4[%mul3A_2, %dma_wait3A_113] : memref<16384x2048xf32, #tpu.memory_space<hbm>> -> memref<8x2048xf32, #tpu.memory_space<hbm>>
    %dma_wait3A_115 = arith.constant 0 : i32
    %dma_wait3A_116 = tpu.memref_slice %arg4[%mul3A_2, %dma_wait3A_115] : memref<16384x2048xf32, #tpu.memory_space<hbm>> -> memref<8x2048xf32, #tpu.memory_space<hbm>>
    %dma_wait3A_117 = arith.constant 0 : i32
    %dma_wait3A_118 = arith.constant 0 : i32
    %dma_wait3A_119 = tpu.memref_slice %arg6[%dma_wait3A_108, %dma_wait3A_117, %dma_wait3A_118] : memref<7x8x2048xf32, #tpu.memory_space<vmem>> -> memref<1x8x2048xf32, #tpu.memory_space<vmem>>
    %dma_wait3A_120 = tpu.memref_squeeze %dma_wait3A_119 : memref<1x8x2048xf32, #tpu.memory_space<vmem>> -> memref<8x2048xf32, #tpu.memory_space<vmem>>
    tpu.wait_dma2 semaphore(%arg16 : memref<!tpu.dma_semaphore, #tpu.memory_space<semaphore_mem>>) src(%dma_wait3A_120 : memref<8x2048xf32, #tpu.memory_space<vmem>>) dst(%dma_wait3A_116 : memref<8x2048xf32, #tpu.memory_space<hbm>>)
    %dma_wait3A_121 = arith.constant 3 : i32
    %dma_wait3A_122 = arith.constant 0 : i32
    %dma_wait3A_123 = arith.constant 0 : i32
    %dma_wait3A_124 = tpu.memref_slice %arg6[%dma_wait3A_121, %dma_wait3A_122, %dma_wait3A_123] : memref<7x8x2048xf32, #tpu.memory_space<vmem>> -> memref<1x8x2048xf32, #tpu.memory_space<vmem>>
    %dma_wait3A_125 = tpu.memref_squeeze %dma_wait3A_124 : memref<1x8x2048xf32, #tpu.memory_space<vmem>> -> memref<8x2048xf32, #tpu.memory_space<vmem>>
    %dma_wait3A_126 = arith.constant 0 : i32
    %dma_wait3A_127 = tpu.memref_slice %arg4[%mul3A_2, %dma_wait3A_126] : memref<16384x2048xf32, #tpu.memory_space<hbm>> -> memref<8x2048xf32, #tpu.memory_space<hbm>>
    %dma_wait3A_128 = arith.constant 0 : i32
    %dma_wait3A_129 = tpu.memref_slice %arg4[%mul3A_2, %dma_wait3A_128] : memref<16384x2048xf32, #tpu.memory_space<hbm>> -> memref<8x2048xf32, #tpu.memory_space<hbm>>
    %dma_wait3A_130 = arith.constant 0 : i32
    %dma_wait3A_131 = arith.constant 0 : i32
    %dma_wait3A_132 = tpu.memref_slice %arg6[%dma_wait3A_121, %dma_wait3A_130, %dma_wait3A_131] : memref<7x8x2048xf32, #tpu.memory_space<vmem>> -> memref<1x8x2048xf32, #tpu.memory_space<vmem>>
    %dma_wait3A_133 = tpu.memref_squeeze %dma_wait3A_132 : memref<1x8x2048xf32, #tpu.memory_space<vmem>> -> memref<8x2048xf32, #tpu.memory_space<vmem>>
    tpu.wait_dma2 semaphore(%arg17 : memref<!tpu.dma_semaphore, #tpu.memory_space<semaphore_mem>>) src(%dma_wait3A_133 : memref<8x2048xf32, #tpu.memory_space<vmem>>) dst(%dma_wait3A_129 : memref<8x2048xf32, #tpu.memory_space<hbm>>)
    %dma_wait3A_134 = arith.constant 4 : i32
    %dma_wait3A_135 = arith.constant 0 : i32
    %dma_wait3A_136 = arith.constant 0 : i32
    %dma_wait3A_137 = tpu.memref_slice %arg6[%dma_wait3A_134, %dma_wait3A_135, %dma_wait3A_136] : memref<7x8x2048xf32, #tpu.memory_space<vmem>> -> memref<1x8x2048xf32, #tpu.memory_space<vmem>>
    %dma_wait3A_138 = tpu.memref_squeeze %dma_wait3A_137 : memref<1x8x2048xf32, #tpu.memory_space<vmem>> -> memref<8x2048xf32, #tpu.memory_space<vmem>>
    %dma_wait3A_139 = arith.constant 0 : i32
    %dma_wait3A_140 = tpu.memref_slice %arg4[%mul3A_2, %dma_wait3A_139] : memref<16384x2048xf32, #tpu.memory_space<hbm>> -> memref<8x2048xf32, #tpu.memory_space<hbm>>
    %dma_wait3A_141 = arith.constant 0 : i32
    %dma_wait3A_142 = tpu.memref_slice %arg4[%mul3A_2, %dma_wait3A_141] : memref<16384x2048xf32, #tpu.memory_space<hbm>> -> memref<8x2048xf32, #tpu.memory_space<hbm>>
    %dma_wait3A_143 = arith.constant 0 : i32
    %dma_wait3A_144 = arith.constant 0 : i32
    %dma_wait3A_145 = tpu.memref_slice %arg6[%dma_wait3A_134, %dma_wait3A_143, %dma_wait3A_144] : memref<7x8x2048xf32, #tpu.memory_space<vmem>> -> memref<1x8x2048xf32, #tpu.memory_space<vmem>>
    %dma_wait3A_146 = tpu.memref_squeeze %dma_wait3A_145 : memref<1x8x2048xf32, #tpu.memory_space<vmem>> -> memref<8x2048xf32, #tpu.memory_space<vmem>>
    tpu.wait_dma2 semaphore(%arg18 : memref<!tpu.dma_semaphore, #tpu.memory_space<semaphore_mem>>) src(%dma_wait3A_146 : memref<8x2048xf32, #tpu.memory_space<vmem>>) dst(%dma_wait3A_142 : memref<8x2048xf32, #tpu.memory_space<hbm>>)
    %dma_wait3A_147 = arith.constant 5 : i32
    %dma_wait3A_148 = arith.constant 0 : i32
    %dma_wait3A_149 = arith.constant 0 : i32
    %dma_wait3A_150 = tpu.memref_slice %arg6[%dma_wait3A_147, %dma_wait3A_148, %dma_wait3A_149] : memref<7x8x2048xf32, #tpu.memory_space<vmem>> -> memref<1x8x2048xf32, #tpu.memory_space<vmem>>
    %dma_wait3A_151 = tpu.memref_squeeze %dma_wait3A_150 : memref<1x8x2048xf32, #tpu.memory_space<vmem>> -> memref<8x2048xf32, #tpu.memory_space<vmem>>
    %dma_wait3A_152 = arith.constant 0 : i32
    %dma_wait3A_153 = tpu.memref_slice %arg4[%mul3A_2, %dma_wait3A_152] : memref<16384x2048xf32, #tpu.memory_space<hbm>> -> memref<8x2048xf32, #tpu.memory_space<hbm>>
    %dma_wait3A_154 = arith.constant 0 : i32
    %dma_wait3A_155 = tpu.memref_slice %arg4[%mul3A_2, %dma_wait3A_154] : memref<16384x2048xf32, #tpu.memory_space<hbm>> -> memref<8x2048xf32, #tpu.memory_space<hbm>>
    %dma_wait3A_156 = arith.constant 0 : i32
    %dma_wait3A_157 = arith.constant 0 : i32
    %dma_wait3A_158 = tpu.memref_slice %arg6[%dma_wait3A_147, %dma_wait3A_156, %dma_wait3A_157] : memref<7x8x2048xf32, #tpu.memory_space<vmem>> -> memref<1x8x2048xf32, #tpu.memory_space<vmem>>
    %dma_wait3A_159 = tpu.memref_squeeze %dma_wait3A_158 : memref<1x8x2048xf32, #tpu.memory_space<vmem>> -> memref<8x2048xf32, #tpu.memory_space<vmem>>
    tpu.wait_dma2 semaphore(%arg19 : memref<!tpu.dma_semaphore, #tpu.memory_space<semaphore_mem>>) src(%dma_wait3A_159 : memref<8x2048xf32, #tpu.memory_space<vmem>>) dst(%dma_wait3A_155 : memref<8x2048xf32, #tpu.memory_space<hbm>>)
    %dma_wait3A_160 = arith.constant 6 : i32
    %dma_wait3A_161 = arith.constant 0 : i32
    %dma_wait3A_162 = arith.constant 0 : i32
    %dma_wait3A_163 = tpu.memref_slice %arg6[%dma_wait3A_160, %dma_wait3A_161, %dma_wait3A_162] : memref<7x8x2048xf32, #tpu.memory_space<vmem>> -> memref<1x8x2048xf32, #tpu.memory_space<vmem>>
    %dma_wait3A_164 = tpu.memref_squeeze %dma_wait3A_163 : memref<1x8x2048xf32, #tpu.memory_space<vmem>> -> memref<8x2048xf32, #tpu.memory_space<vmem>>
    %dma_wait3A_165 = arith.constant 0 : i32
    %dma_wait3A_166 = tpu.memref_slice %arg4[%mul3A_2, %dma_wait3A_165] : memref<16384x2048xf32, #tpu.memory_space<hbm>> -> memref<8x2048xf32, #tpu.memory_space<hbm>>
    %dma_wait3A_167 = arith.constant 0 : i32
    %dma_wait3A_168 = tpu.memref_slice %arg4[%mul3A_2, %dma_wait3A_167] : memref<16384x2048xf32, #tpu.memory_space<hbm>> -> memref<8x2048xf32, #tpu.memory_space<hbm>>
    %dma_wait3A_169 = arith.constant 0 : i32
    %dma_wait3A_170 = arith.constant 0 : i32
    %dma_wait3A_171 = tpu.memref_slice %arg6[%dma_wait3A_160, %dma_wait3A_169, %dma_wait3A_170] : memref<7x8x2048xf32, #tpu.memory_space<vmem>> -> memref<1x8x2048xf32, #tpu.memory_space<vmem>>
    %dma_wait3A_172 = tpu.memref_squeeze %dma_wait3A_171 : memref<1x8x2048xf32, #tpu.memory_space<vmem>> -> memref<8x2048xf32, #tpu.memory_space<vmem>>
    tpu.wait_dma2 semaphore(%arg20 : memref<!tpu.dma_semaphore, #tpu.memory_space<semaphore_mem>>) src(%dma_wait3A_172 : memref<8x2048xf32, #tpu.memory_space<vmem>>) dst(%dma_wait3A_168 : memref<8x2048xf32, #tpu.memory_space<hbm>>)
    return
  }
}

</mosaic_0001>

<sc_bundles>
// kernel: kernel.3.cloned.1.call-start
scs
__scs_entry_jumppad:
0x0: {  	(pc) =	sbr.rel $0x88, $3  }
0x1: {  	(tag) =	ssettag $0x0;
	lr =	simm.s32 $0x1  }
0x2: {  	[smem:$0x3F9D] =	sst lr;
	_ =	strace $0xD0000000  }
0x3: {  	_ = 	snop  }
0x4: {  	_ = 	snop  }
0x5: {  	_ = 	snop  }
0x6: {  	_ = 	snop  }
0x7: {  	_ = 	snop  }
__scs_overlays_trampoline_lowered:
0x8: {  	[smem:$0x3FAC] =	sst s0  }
0x9: {  	[smem:$0x3FAD] =	sst s1  }
0xa: {  	[smem:$0x3FAE] =	sst s2  }
0xb: {  	[smem:$0x3FAF] =	sst s3  }
0xc: {  	[smem:$0x3FB0] =	sst s4  }
0xd: {  	[smem:$0x3FB1] =	sst s5  }
0xe: {  	[smem:$0x3FB2] =	sst s6  }
0xf: {  	[smem:$0x3FB3] =	sst s7  }
0x10: {  	[smem:$0x3FB4] =	sst s8  }
0x11: {  	[smem:$0x3FB5] =	sst s9;
	s0 =	simm.s32 @!p0 $0x0  }
0x12: {  	s1 =	sld [smem:$0x3F9B];
	s0 =	simm.s32 @p0 $0x1  }
0x13: {  	[smem:$0x3FB6] =	sst s0;
	s0 =	simm.s32 @!p1 $0x0  }
0x14: {  	s2 =	sld [smem:$0x3F9A];
	s0 =	simm.s32 @p1 $0x1  }
0x15: {  	[smem:$0x3FB7] =	sst s0;
	s0 =	simm.s32 @!p2 $0x0  }
0x16: {  	s3 =	sld [smem:$0x3FDB];
	s0 =	simm.s32 @p2 $0x1  }
0x17: {  	s4 =	simm.s32 $0x1BF5;
	[smem:$0x3FB9] =	sst s0  }
0x18: {  	s0 =	sld [smem:$0x3F9C];
	_ =	swait.ge [sflag:s4], $0x0  }
0x19: {  	s7 =	sld [smem:$0x3F9D]  }
0x1a: {  	s8 =	sadd.s32 $0xFFFFE003, lr  }
0x1b: {  	s9 =	sadd.s32 $0xFFFFFEF7, lr;
	s5 =	simm.s32 $0xFFFFFFFF;
	p2 =	slt.u32 s8, $0xFFFFF086  }
0x1c: {  	p1 =	slt.u32 s9, $0xF7A;
	s5 =	simm.s32 @!p2 $0x0  }
0x1d: {  	s5 =	simm.s32 @p1 $0x1;
	p0 =	seq.s32 s7, s2  }
0x1e: {  	s7 =	smul.u32 @!p0 $0xF7A, s2;
	p2 =	seq.s32 @!p0 s5, $0x0  }
0x1f: {  	s9 =	smul.u32 $0xF7A, s1;
	s8 =	simm.s32 @!p0 $0x1BF5;
	p2 =	por !p2, p0  }
0x20: {  	[sflag:s8] =	ssyncset.s32 @!p0 $0xFFFFF086;
	s6 =	sadd.s32 @!p0 s3, s7;
	s7 =	simm.s32 @!p0 $0x108  }
0x21: {  	s3 =	sadd.s32 s3, s9;
	s6 =	sadd.s32 @!p0 $0x88, s6;
	s7 =	simm.s32 @p2 $0x1082  }
0x22: {  	[simem:s7], [sflag:s8] =	dma.local @!p0 [hbm:s6], $0xF7A  }
0x23: {  	s9 =	sor.u32 $0xD0000000, s2;
	s6 =	simm.s32 $0x108;
	_ =	swait.ge @!p0 [sflag:s8], $0x0  }
0x24: {  	s3 =	sadd.s32 $0x88, s3;
	s6 =	simm.s32 @!p1 $0x1082;
	[sflag:s4] =	ssyncset.s32 $0xFFFFF086  }
0x25: {  	[simem:s6], [sflag:s4] =	dma.local [hbm:s3], $0xF7A  }
0x26: {  	[smem:$0x3F9D] =	sst s1;
	(tag) =	ssettag s2;
	_ =	strace s9  }
0x27: {  	s1 =	sld [smem:$0x3FAD]  }
0x28: {  	s2 =	sld [smem:$0x3FAE]  }
0x29: {  	s4 =	sld [smem:$0x3FB0]  }
0x2a: {  	p0 =	seq.s32 s5, $0x0;
	s5 =	sld [smem:$0x3FB1]  }
0x2b: {  	s6 =	sld [smem:$0x3FB2]  }
0x2c: {  	s7 =	sld [smem:$0x3FB3]  }
0x2d: {  	s3 =	simm.s32 $0x108;
	s8 =	sld [smem:$0x3FB4]  }
0x2e: {  	s3 =	simm.s32 @!p0 $0x1082;
	s9 =	sld [smem:$0x3FB5]  }
0x2f: {  	lr =	sadd.s32 s0, s3;
	s0 =	sld [smem:$0x3FAC]  }
0x30: {  	s3 =	sld [smem:$0x3FAF]  }
0x31: {  	[smem:$0x3FB8] =	sst s10  }
0x32: {  	s10 =	sld [smem:$0x3FB6];
	_ =	sdelay $0x3  }
0x33: {  	p0 =	seq.s32 s10, $0x1;
	s10 =	sld [smem:$0x3FB8];
	_ =	sdelay $0x3  }
0x34: {  	[smem:$0x3FB8] =	sst s10  }
0x35: {  	s10 =	sld [smem:$0x3FB7];
	_ =	sdelay $0x3  }
0x36: {  	p1 =	seq.s32 s10, $0x1;
	s10 =	sld [smem:$0x3FB8];
	_ =	sdelay $0x3  }
0x37: {  	[smem:$0x3FB8] =	sst s10  }
0x38: {  	s10 =	sld [smem:$0x3FB9]  }
0x39: {  	_ = 	snop;
	(pc) =	sbr.ind lr, $3  }
0x3a: {  	_ = 	snop  }
0x3b: {  	_ = 	snop  }
0x3c: {  	p2 =	seq.s32 s10, $0x1;
	s10 =	sld [smem:$0x3FB8]  }
0x3d: {  	_ =	shalt  }
0x3e: {  	_ =	shalt  }
0x3f: {  	_ =	shalt  }
0x40: {  	_ =	shalt  }
0x41: {  	_ =	shalt  }
0x42: {  	_ =	shalt  }
0x43: {  	_ =	shalt  }
0x44: {  	_ =	shalt  }
0x45: {  	_ =	shalt  }
0x46: {  	_ =	shalt  }
0x47: {  	_ =	shalt  }
0x48: {  	_ =	shalt  }
0x49: {  	_ =	shalt  }
0x4a: {  	_ =	shalt  }
0x4b: {  	_ =	shalt  }
0x4c: {  	_ =	shalt  }
0x4d: {  	_ =	shalt  }
0x4e: {  	_ =	shalt  }
0x4f: {  	_ =	shalt  }
0x50: {  	_ =	shalt  }
0x51: {  	_ =	shalt  }
0x52: {  	_ =	shalt  }
0x53: {  	_ =	shalt  }
0x54: {  	_ =	shalt  }
0x55: {  	_ =	shalt  }
0x56: {  	_ =	shalt  }
0x57: {  	_ =	shalt  }
0x58: {  	_ =	shalt  }
0x59: {  	_ =	shalt  }
0x5a: {  	_ =	shalt  }
0x5b: {  	_ =	shalt  }
0x5c: {  	_ =	shalt  }
0x5d: {  	_ =	shalt  }
0x5e: {  	_ =	shalt  }
0x5f: {  	_ =	shalt  }
0x60: {  	_ =	shalt  }
0x61: {  	_ =	shalt  }
0x62: {  	_ =	shalt  }
0x63: {  	_ =	shalt  }
0x64: {  	_ =	shalt  }
0x65: {  	_ =	shalt  }
0x66: {  	_ =	shalt  }
0x67: {  	_ =	shalt  }
0x68: {  	_ =	shalt  }
0x69: {  	_ =	shalt  }
0x6a: {  	_ =	shalt  }
0x6b: {  	_ =	shalt  }
0x6c: {  	_ =	shalt  }
0x6d: {  	_ =	shalt  }
0x6e: {  	_ =	shalt  }
0x6f: {  	_ =	shalt  }
0x70: {  	_ =	shalt  }
0x71: {  	_ =	shalt  }
0x72: {  	_ =	shalt  }
0x73: {  	_ =	shalt  }
0x74: {  	_ =	shalt  }
0x75: {  	_ =	shalt  }
0x76: {  	_ =	shalt  }
0x77: {  	_ =	shalt  }
0x78: {  	_ =	shalt  }
0x79: {  	_ =	shalt  }
0x7a: {  	_ =	shalt  }
0x7b: {  	_ =	shalt  }
0x7c: {  	_ =	shalt  }
0x7d: {  	_ =	shalt  }
0x7e: {  	_ =	shalt  }
0x7f: {  	_ =	shalt  }
0x80: {  	_ =	shalt  }
0x81: {  	_ =	shalt  }
0x82: {  	_ =	shalt  }
0x83: {  	_ =	shalt  }
0x84: {  	_ =	shalt  }
0x85: {  	_ =	shalt  }
0x86: {  	_ =	shalt  }
0x87: {  	_ =	shalt  }
.Lfunc_end0:
.L_simem_size_0:
called_computation_lowered:
.L_overlay_start_0:
0x88: {  	s2 =	sld [smem:$0x3FD9]  }
0x89: {  	s3 =	sld [smem:$0x3FFE];
	_ =	sdelay $0x1  }
0x8a: {  	s1 =	srdreg.scid  }
0x8b: {  	s0 =	sand.u32 $0x1, s1  }
0x8c: {  	s15 =	sshll.u32 s0, $0xA;
	s2 =	sadd.s32 s3, s2  }
0x8d: {  	s2 =	sadd.s32 s2, s15  }
0x8e: {  	[smem:$0x3FC4] =	sst s2  }
0x8f: {  	_ = 	snop  }
0x90: {  	s2 =	sld [smem:$0x3FD0];
	_ =	sdelay $0x2  }
0x91: {  	s4 =	simm.s32 $0xA;
	s5 =	simm.s32 $0x10;
	s16 =	sld [smem:$0x3FC9]  }
0x92: {  	[smem:s5], [sflag:s4] =	dma.local [hbm:s2], $0x1  }
0x93: {  	_ =	swait.eq [sflag:s4], $0x1  }
0x94: {  	[sflag:s4] =	ssyncset.done $0x0  }
0x95: {  	s17 =	sld [smem:$0x10];
	[sflag:s4] =	ssyncadd.s32 $0xFFFFFFFF  }
0x96: {  	s18 =	sld [smem:$0x12];
	(tm) =	ssettm $0x1  }
0x97: {  	s19 =	sld [smem:$0x3FFB];
	_ =	sdelay $0x3  }
0x98: {  	_ =	strace s19  }
0x99: {  	s5 =	sld [smem:$0x3FFC];
	_ =	sdelay $0x3  }
0x9a: {  	_ =	strace s5  }
0x9b: {  	s5 =	sld [smem:$0x3FFD];
	_ =	sdelay $0x3  }
0x9c: {  	_ =	strace s5  }
0x9d: {  	_ =	strace $0x8FFFFFFF  }
0x9e: {  	s20 =	sld [smem:$0x3FDB];
	_ =	sdelay $0x1  }
0x9f: {  	s6 =	simm.s32 $_scs_section_size  }
0xa0: {  	s7 =	simm.s32 $_size__tile_overlayer_lowered;
	s8 =	simm.s32 $_tile_overlayer_lowered  }
0xa1: {  	s23 =	simm.s32 $0x1BFF;
	s22 =	sshll.u32 s8, $0x1;
	s5 =	sadd.s32 s6, s20  }
0xa2: {  	s9 =	simm.s32 $0x0;
	s21 =	sshll.u32 s7, $0x1;
	s7 =	sadd.s32 s22, s5  }
0xa3: {  	[timem:s9], [sflag:s23] =	dma.local [hbm:s7], s21  }
0xa4: {  	_ =	swait.ge [sflag:s23], s21  }
0xa5: {  	s6 =	ssub.s32 $0x0, s21;
	[sflag:s23] =	ssyncset.done $0x0  }
0xa6: {  	[sflag:s23] =	ssyncadd.s32 s6;
	_ =	sdelay $0x1  }
0xa7: {  	s24 =	simm.s32 $0x1B8B  }
0xa8: {  	_ =	swait.ge [sflag:s24], $0x1  }
0xa9: {  	[sflag:s24] =	ssyncset.done $0x0  }
0xaa: {  	s25 =	simm.s32 $0x1B8E;
	[sflag:s24] =	ssyncadd.s32 $0xFFFFFFFF  }
0xab: {  	s26 =	simm.s32 $execute0_lowered;
	[smem:$0x3FD2] =	sst s25  }
0xac: {  	s6 =	sshll.u32 s26, $0x1;
	_ =	strace $0x80000046;
	[dreg:$0x1] =	wrdreg $0xFFFFFFFF  }
0xad: {  	s28 =	simm.s32 $_size_execute0_lowered;
	s5 =	sadd.s32 s5, s6;
	[dreg:$0x0] =	wrdreg $0x0  }
0xae: {  	s6 =	sshll.u32 s28, $0x1;
	[dreg:$0x2] =	wrdreg s5  }
0xaf: {  	[dreg:$0x3] =	wrdreg s6  }
0xb0: {  	[dreg:$0x4] =	wrdreg $0xC0  }
0xb1: {  	_ =	task [dreg:s9], $0x5FFFF  }
0xb2: {  	[dreg:$0x1] =	wrdreg $0xFFFFFFFF  }
0xb3: {  	[dreg:$0x0] =	wrdreg $0x60  }
0xb4: {  	[dreg:$0x2] =	wrdreg s16  }
0xb5: {  	[dreg:$0x3] =	wrdreg s18  }
0xb6: {  	[dreg:$0x4] =	wrdreg s17  }
0xb7: {  	[dreg:$0x5] =	wrdreg $0x9  }
0xb8: {  	_ =	task.clear_ibuf [dreg:s9], $0x6FFFF;
	_ =	strace $0x90000046  }
0xb9: {  	s29 =	simm.s32 $0x9;
	_ =	strace $0x80000048  }
0xba: {  	_ =	swait.ge [sflag:s29], $0x1  }
0xbb: {  	[sflag:s29] =	ssyncadd.s32 $0xFFFFFFFF  }
0xbc: {  	_ =	strace $0x90000048  }
0xbd: {  	_ =	sfence  }
0xbe: {  	s30 =	sld [smem:$0x0];
	_ =	sdelay $0x2  }
0xbf: {  	s31 =	sshll.u32 s1, $0xD;
	s1 =	sshrl.u32 s1, $0x2  }
0xc0: {  	s3 =	sand.u32 $0x4000, s31;
	s1 =	sadd.s32 s1, s30  }
0xc1: {  	s0 =	sor.u32 s3, s0;
	s1 =	sshll.u32 s1, $0x11  }
0xc2: {  	s0 =	sor.u32 s1, s0  }
0xc3: {  	s0 =	sadd.s32 $0x8F2B, s0  }
0xc4: {  	[sflag:s0] =	ssyncadd.remote.s32 $0x1  }
0xc5: {  	_ =	sfence.sel $0xFFFF  }
0xc6: {  	[dreg:$0x0] =	wrdreg $0xFFFFFFFF;
	(pc) =	sbr.abs _section_cstart, $3  }
0xc7: {  	[dreg:$0x1] =	wrdreg $0xFFFFFFFF  }
0xc8: {  	_ =	task.clear_ibuf [dreg:s9], $0x2FFFF;
	_ =	strace $0x9FFFFFFF  }
0xc9: {  	(tm) =	ssettm $0x7FFFFFFF  }
tec
execute0_lowered:
.L_overlay_start_1:
0x0: {  	(tag) =	ssettag $0x1  }
0x1: {  	s0 =	srdreg.scid;
	s1 =	rddreg [dreg:$0x0]  }
0x2: {  	s14 =	stileid.u32;
	s4 =	rddreg [dreg:$0x1]  }
0x3: {  	s12 =	rddreg [dreg:$0x2];
	s3 =	simm.s32 $0x0;
	s20 =	simm.s32 $0x200  }
0x4: {  	s17 =	simm.s32 $0xC200;
	s28 =	simm.s32 $0x14200;
	s15 =	simm.s32 $0x8  }
0x5: {  	s19 =	simm.s32 $0x4;
	s30 =	simm.s32 $0x5;
	s31 =	simm.s32 $0x6  }
0x6: {  	s21 =	simm.s32 $0x7;
	s18 =	simm.s32 $0x0;
	s0 =	sand.u32 $0x1, s0  }
0x7: {  	s2 =	sshll.u32 s14, $0x1;
	s5 =	sshll.u32 s14, $0xA;
	[smem:$0x7FF] =	sst s3  }
0x8: {  	s8 =	sadd.s32 $0x400, s1;
	s9 =	sadd.s32 $0x500, s1;
	s10 =	sadd.s32 $0x600, s1  }
0x9: {  	s11 =	sadd.s32 $0x700, s1;
	s26 =	sshll.u32 s14, $0x12;
	s14 =	simm.s32 $0x3  }
0xa: {  	s2 =	sor.u32 s0, s2;
	s22 =	ssub.s32 $0x2, s0;
	_ =	strace $0x80000047  }
0xb: {  	s29 =	sadd.s32 s26, s12;
	s0 =	sshll.u32 s0, $0x11;
	s26 =	simm.s32 $0x1  }
0xc: {  	s6 =	sshll.u32 s2, $0x7;
	s7 =	sshrl.u32 s22, $0x1;
	s2 =	sshll.u32 s2, $0x11  }
0xd: {  	s16 =	sadd.s32 s0, s29;
	s0 =	simm.s32 $0x2;
	s5 =	sor.u32 s6, s5  }
0xe: {  	s13 =	ssub.s32 s22, s7;
	s6 =	sadd.s32 $0x200, s1;
	s2 =	sadd.s32 s12, s2  }
0xf: {  	s7 =	sadd.s32 $0x300, s1;
	s22 =	simm.s32 $0x4200;
	s23 =	sadd.s32 $0x1E000, s2  }
0x10: {  	s12 =	simm.s32 $0x18200;
	s24 =	sadd.s32 $0x1F800, s2;
	[dreg:$0x5] =	wrdreg s23  }
.Ltmp0:
0x11: {  	s25 =	smax.u32 s13, $0x1;
	[dreg:$0x6] =	wrdreg s24;
	(pc) =	sbr.rel .LBB2_1-.Ltmp0, $4  }
0x12: {  	s5 =	sand.u32 $0x3380, s5;
	s2 =	sadd.s32 $0x1F000, s2;
	[dreg:$0x7] =	wrdreg s25  }
0x13: {  	v0 =	vlaneseq.u32;
	s5 =	sshrl.u32 s5, $0x3;
	[dreg:$0x8] =	wrdreg s2;
	s23 =	simm.s32 $0x8200  }
0x14: {  	v1 =	vshrl.u32 v0, $0x3;
	s2 =	simm.s32 $0x10200;
	s24 =	simm.s32 $0xB;
	s4 =	sadd.s32 s4, s5  }
0x15: {  	vm0 =	vmmov $0xffff;
	v0 =	vand.u32 $0x7, v0;
	v1 =	vmul.u32 $0x8, v1;
	s25 =	simm.s32 $0xC;
	s5 =	sadd.s32 $0x100, s1;
	[dreg:$0x4] =	wrdreg s4  }
.LBB2_7:
0x16: {  	_ =	swait.ge [sflag:s21], $0x4000  }
0x17: {  	[sflag:s21] =	ssyncset.done $0x0  }
0x18: {  	s4 =	rddreg [dreg:$0x8];
	[sflag:s21] =	ssyncadd.s32 $0xFFFFC000  }
0x19: {  	[hbm4b:s4+s3] =	stream.linear.scatter [tilespmem:s12], [sflag:$0xE], $0x4000, $0x38;
	[tilespmem:$0x1C200] =	vst v63  }
0x1a: {  	_ =	swait.ge [sflag:s26], $0x4000  }
0x1b: {  	[sflag:s26] =	ssyncset.done $0x0  }
0x1c: {  	s29 =	rddreg [dreg:$0x6];
	[sflag:s26] =	ssyncadd.s32 $0xFFFFC000  }
0x1d: {  	[hbm4b:s29+s3] =	stream.linear.scatter [tilespmem:s20], [sflag:$0x8], $0x4000, $0x38;
	[tilespmem:$0x1C200] =	vst v63  }
0x1e: {  	_ =	swait.ge [sflag:s15], $0x4000  }
0x1f: {  	[sflag:s15] =	ssyncset.done $0x0  }
0x20: {  	s13 =	simm.s32 $0x9;
	[sflag:s15] =	ssyncadd.s32 $0xFFFFC000  }
0x21: {  	_ =	swait.ge [sflag:s13], $0x4000  }
0x22: {  	[sflag:s13] =	ssyncset.done $0x0  }
0x23: {  	s18 =	simm.s32 $0xA;
	[sflag:s13] =	ssyncadd.s32 $0xFFFFC000  }
0x24: {  	_ =	swait.ge [sflag:s18], $0x4000  }
0x25: {  	[sflag:s18] =	ssyncset.done $0x0  }
0x26: {  	[sflag:s18] =	ssyncadd.s32 $0xFFFFC000  }
0x27: {  	_ =	swait.ge [sflag:s24], $0x4000  }
0x28: {  	[sflag:s24] =	ssyncset.done $0x0  }
0x29: {  	[sflag:s24] =	ssyncadd.s32 $0xFFFFC000  }
0x2a: {  	_ =	swait.ge [sflag:s25], $0x4000  }
0x2b: {  	[sflag:s25] =	ssyncset.done $0x0  }
0x2c: {  	s22 =	simm.s32 $0xD;
	[sflag:s25] =	ssyncadd.s32 $0xFFFFC000  }
0x2d: {  	_ =	swait.ge [sflag:s22], $0x4000  }
0x2e: {  	[sflag:s22] =	ssyncset.done $0x0  }
0x2f: {  	s13 =	simm.s32 $0xE;
	[sflag:s22] =	ssyncadd.s32 $0xFFFFC000  }
0x30: {  	_ =	swait.ge [sflag:s13], $0x4000  }
0x31: {  	s18 =	rddreg [dreg:$0x9]  }
0x32: {  	s29 =	rddreg [dreg:$0x7];
	s18 =	sadd.s32 $0x1, s18  }
0x33: {  	p0 =	sne.s32 s18, s29  }
.Ltmp1:
0x34: {  	_ = 	snop;
	(pc) =	sbr.rel @!p0 .LBB2_8-.Ltmp1, $3  }
0x35: {  	_ =	sdelay $0x1  }
0x36: {  	[sflag:s13] =	ssyncset.done $0x0  }
0x37: {  	s23 =	simm.s32 $0x8200;
	s22 =	simm.s32 $0x4200;
	[sflag:s13] =	ssyncadd.s32 $0xFFFFC000  }
.LBB2_1:
0x38: {  	[dreg:$0x9] =	wrdreg s18  }
0x39: {  	s4 =	rddreg [dreg:$0x4]  }
0x3a: {  	s13 =	simm.s32 $0x80;
	s29 =	simm.s32 $0x400;
	s18 =	simm.s32 $0xF  }
0x3b: {  	[tilespmem:s3], [sflag:$0xF] =	stream.strided.gather [hbm4b:s4+s13], $0x200, s29, s13, $0x38;
	[tilespmem:$0x1C200] =	vst v63  }
0x3c: {  	_ =	swait.ge [sflag:s18], $0x200  }
0x3d: {  	[sflag:s18] =	ssyncset.done $0x0  }
0x3e: {  	[sflag:s18] =	ssyncadd.s32 $0xFFFFFE00  }
0x3f: {  	v2 =	vld.msk [tilespmem:$0x0], $0xff;
	_ =	sdelay $0x4  }
0x40: {  	v3 =	vshll.u32 v2, $0x4  }
0x41: {  	v2 =	vand.u32 $0x7, v2;
	v3 =	vand.u32 $0xFFFFFF80, v3  }
0x42: {  	v2 =	vor.u32 v2, v3  }
0x43: {  	v2 =	vperm.xlane v2, v0;
	_ =	sdelay $0x1  }
0x44: {  	v2 =	vadd.s32 v1, v2;
	_ =	sdelay $0x4  }
0x45: {  	[tilespmem:s20], [sflag:$0x1] =	stream.indirect_vreg.gather [hbm4b:s1+s3], $0x80, v2, vm0, $0xb8;
	[tilespmem:$0x1C200] =	vst v63  }
0x46: {  	s29 =	simm.s32 $0xA00  }
0x47: {  	[tilespmem:s29], [sflag:$0x1] =	stream.indirect_vreg.gather [hbm4b:s5+s3], $0x80, v2, vm0, $0xb8;
	[tilespmem:$0x1C200] =	vst v63  }
0x48: {  	s13 =	simm.s32 $0x1200  }
0x49: {  	[tilespmem:s13], [sflag:$0x1] =	stream.indirect_vreg.gather [hbm4b:s6+s3], $0x80, v2, vm0, $0xb8;
	[tilespmem:$0x1C200] =	vst v63  }
0x4a: {  	s18 =	simm.s32 $0x1A00  }
0x4b: {  	[tilespmem:s18], [sflag:$0x1] =	stream.indirect_vreg.gather [hbm4b:s7+s3], $0x80, v2, vm0, $0xb8;
	[tilespmem:$0x1C200] =	vst v63  }
0x4c: {  	s29 =	simm.s32 $0x2200  }
0x4d: {  	[tilespmem:s29], [sflag:$0x1] =	stream.indirect_vreg.gather [hbm4b:s8+s3], $0x80, v2, vm0, $0xb8;
	[tilespmem:$0x1C200] =	vst v63  }
0x4e: {  	s13 =	simm.s32 $0x2A00  }
0x4f: {  	[tilespmem:s13], [sflag:$0x1] =	stream.indirect_vreg.gather [hbm4b:s9+s3], $0x80, v2, vm0, $0xb8;
	[tilespmem:$0x1C200] =	vst v63  }
0x50: {  	s18 =	simm.s32 $0x3200  }
0x51: {  	[tilespmem:s18], [sflag:$0x1] =	stream.indirect_vreg.gather [hbm4b:s10+s3], $0x80, v2, vm0, $0xb8;
	[tilespmem:$0x1C200] =	vst v63  }
0x52: {  	s29 =	simm.s32 $0x3A00  }
0x53: {  	[tilespmem:s29], [sflag:$0x1] =	stream.indirect_vreg.gather [hbm4b:s11+s3], $0x80, v2, vm0, $0xb8;
	[tilespmem:$0x1C200] =	vst v63  }
0x54: {  	v2 =	vld.msk [tilespmem:$0x8], $0xff;
	_ =	sdelay $0x4  }
0x55: {  	v3 =	vshll.u32 v2, $0x4  }
0x56: {  	v2 =	vand.u32 $0x7, v2;
	v3 =	vand.u32 $0xFFFFFF80, v3  }
0x57: {  	v2 =	vor.u32 v2, v3  }
0x58: {  	v2 =	vperm.xlane v2, v0;
	_ =	sdelay $0x1  }
0x59: {  	v2 =	vadd.s32 v1, v2;
	_ =	sdelay $0x4  }
0x5a: {  	[tilespmem:s22], [sflag:$0x2] =	stream.indirect_vreg.gather [hbm4b:s1+s3], $0x80, v2, vm0, $0xb8;
	[tilespmem:$0x1C200] =	vst v63  }
0x5b: {  	s13 =	simm.s32 $0x4A00  }
0x5c: {  	[tilespmem:s13], [sflag:$0x2] =	stream.indirect_vreg.gather [hbm4b:s5+s3], $0x80, v2, vm0, $0xb8;
	[tilespmem:$0x1C200] =	vst v63  }
0x5d: {  	s18 =	simm.s32 $0x5200  }
0x5e: {  	[tilespmem:s18], [sflag:$0x2] =	stream.indirect_vreg.gather [hbm4b:s6+s3], $0x80, v2, vm0, $0xb8;
	[tilespmem:$0x1C200] =	vst v63  }
0x5f: {  	s22 =	simm.s32 $0x5A00  }
0x60: {  	[tilespmem:s22], [sflag:$0x2] =	stream.indirect_vreg.gather [hbm4b:s7+s3], $0x80, v2, vm0, $0xb8;
	[tilespmem:$0x1C200] =	vst v63  }
0x61: {  	s29 =	simm.s32 $0x6200  }
0x62: {  	[tilespmem:s29], [sflag:$0x2] =	stream.indirect_vreg.gather [hbm4b:s8+s3], $0x80, v2, vm0, $0xb8;
	[tilespmem:$0x1C200] =	vst v63  }
0x63: {  	s13 =	simm.s32 $0x6A00  }
0x64: {  	[tilespmem:s13], [sflag:$0x2] =	stream.indirect_vreg.gather [hbm4b:s9+s3], $0x80, v2, vm0, $0xb8;
	[tilespmem:$0x1C200] =	vst v63  }
0x65: {  	s18 =	simm.s32 $0x7200  }
0x66: {  	[tilespmem:s18], [sflag:$0x2] =	stream.indirect_vreg.gather [hbm4b:s10+s3], $0x80, v2, vm0, $0xb8;
	[tilespmem:$0x1C200] =	vst v63  }
0x67: {  	s22 =	simm.s32 $0x7A00  }
0x68: {  	[tilespmem:s22], [sflag:$0x2] =	stream.indirect_vreg.gather [hbm4b:s11+s3], $0x80, v2, vm0, $0xb8;
	[tilespmem:$0x1C200] =	vst v63  }
0x69: {  	v2 =	vld.msk [tilespmem:$0x10], $0xff;
	_ =	sdelay $0x4  }
0x6a: {  	v3 =	vshll.u32 v2, $0x4  }
0x6b: {  	v2 =	vand.u32 $0x7, v2;
	v3 =	vand.u32 $0xFFFFFF80, v3  }
0x6c: {  	v2 =	vor.u32 v2, v3  }
0x6d: {  	v2 =	vperm.xlane v2, v0;
	_ =	sdelay $0x1  }
0x6e: {  	v2 =	vadd.s32 v1, v2;
	_ =	sdelay $0x4  }
0x6f: {  	[tilespmem:s23], [sflag:$0x3] =	stream.indirect_vreg.gather [hbm4b:s1+s3], $0x80, v2, vm0, $0xb8;
	[tilespmem:$0x1C200] =	vst v63  }
0x70: {  	s29 =	simm.s32 $0x8A00  }
0x71: {  	[tilespmem:s29], [sflag:$0x3] =	stream.indirect_vreg.gather [hbm4b:s5+s3], $0x80, v2, vm0, $0xb8;
	[tilespmem:$0x1C200] =	vst v63  }
0x72: {  	s13 =	simm.s32 $0x9200  }
0x73: {  	[tilespmem:s13], [sflag:$0x3] =	stream.indirect_vreg.gather [hbm4b:s6+s3], $0x80, v2, vm0, $0xb8;
	[tilespmem:$0x1C200] =	vst v63  }
0x74: {  	s18 =	simm.s32 $0x9A00  }
0x75: {  	[tilespmem:s18], [sflag:$0x3] =	stream.indirect_vreg.gather [hbm4b:s7+s3], $0x80, v2, vm0, $0xb8;
	[tilespmem:$0x1C200] =	vst v63  }
0x76: {  	s22 =	simm.s32 $0xA200  }
0x77: {  	[tilespmem:s22], [sflag:$0x3] =	stream.indirect_vreg.gather [hbm4b:s8+s3], $0x80, v2, vm0, $0xb8;
	[tilespmem:$0x1C200] =	vst v63  }
0x78: {  	s23 =	simm.s32 $0xAA00  }
0x79: {  	[tilespmem:s23], [sflag:$0x3] =	stream.indirect_vreg.gather [hbm4b:s9+s3], $0x80, v2, vm0, $0xb8;
	[tilespmem:$0x1C200] =	vst v63  }
0x7a: {  	s29 =	simm.s32 $0xB200  }
0x7b: {  	[tilespmem:s29], [sflag:$0x3] =	stream.indirect_vreg.gather [hbm4b:s10+s3], $0x80, v2, vm0, $0xb8;
	[tilespmem:$0x1C200] =	vst v63  }
0x7c: {  	s13 =	simm.s32 $0xBA00  }
0x7d: {  	[tilespmem:s13], [sflag:$0x3] =	stream.indirect_vreg.gather [hbm4b:s11+s3], $0x80, v2, vm0, $0xb8;
	[tilespmem:$0x1C200] =	vst v63  }
0x7e: {  	v2 =	vld.msk [tilespmem:$0x18], $0xff;
	_ =	sdelay $0x4  }
0x7f: {  	v3 =	vshll.u32 v2, $0x4  }
0x80: {  	v2 =	vand.u32 $0x7, v2;
	v3 =	vand.u32 $0xFFFFFF80, v3  }
0x81: {  	v2 =	vor.u32 v2, v3  }
0x82: {  	v2 =	vperm.xlane v2, v0;
	_ =	sdelay $0x1  }
0x83: {  	v2 =	vadd.s32 v1, v2;
	_ =	sdelay $0x4  }
0x84: {  	[tilespmem:s17], [sflag:$0x4] =	stream.indirect_vreg.gather [hbm4b:s1+s3], $0x80, v2, vm0, $0xb8;
	[tilespmem:$0x1C200] =	vst v63  }
0x85: {  	s18 =	simm.s32 $0xCA00  }
0x86: {  	[tilespmem:s18], [sflag:$0x4] =	stream.indirect_vreg.gather [hbm4b:s5+s3], $0x80, v2, vm0, $0xb8;
	[tilespmem:$0x1C200] =	vst v63  }
0x87: {  	s22 =	simm.s32 $0xD200  }
0x88: {  	[tilespmem:s22], [sflag:$0x4] =	stream.indirect_vreg.gather [hbm4b:s6+s3], $0x80, v2, vm0, $0xb8;
	[tilespmem:$0x1C200] =	vst v63  }
0x89: {  	s23 =	simm.s32 $0xDA00  }
0x8a: {  	[tilespmem:s23], [sflag:$0x4] =	stream.indirect_vreg.gather [hbm4b:s7+s3], $0x80, v2, vm0, $0xb8;
	[tilespmem:$0x1C200] =	vst v63  }
0x8b: {  	s29 =	simm.s32 $0xE200  }
0x8c: {  	[tilespmem:s29], [sflag:$0x4] =	stream.indirect_vreg.gather [hbm4b:s8+s3], $0x80, v2, vm0, $0xb8;
	[tilespmem:$0x1C200] =	vst v63  }
0x8d: {  	s13 =	simm.s32 $0xEA00  }
0x8e: {  	[tilespmem:s13], [sflag:$0x4] =	stream.indirect_vreg.gather [hbm4b:s9+s3], $0x80, v2, vm0, $0xb8;
	[tilespmem:$0x1C200] =	vst v63  }
0x8f: {  	s18 =	simm.s32 $0xF200  }
0x90: {  	[tilespmem:s18], [sflag:$0x4] =	stream.indirect_vreg.gather [hbm4b:s10+s3], $0x80, v2, vm0, $0xb8;
	[tilespmem:$0x1C200] =	vst v63  }
0x91: {  	s22 =	simm.s32 $0xFA00  }
0x92: {  	[tilespmem:s22], [sflag:$0x4] =	stream.indirect_vreg.gather [hbm4b:s11+s3], $0x80, v2, vm0, $0xb8;
	[tilespmem:$0x1C200] =	vst v63  }
0x93: {  	v2 =	vld.msk [tilespmem:$0x20], $0xff;
	_ =	sdelay $0x4  }
0x94: {  	v3 =	vshll.u32 v2, $0x4  }
0x95: {  	v2 =	vand.u32 $0x7, v2;
	v3 =	vand.u32 $0xFFFFFF80, v3  }
0x96: {  	v2 =	vor.u32 v2, v3  }
0x97: {  	v2 =	vperm.xlane v2, v0;
	_ =	sdelay $0x1  }
0x98: {  	v2 =	vadd.s32 v1, v2;
	_ =	sdelay $0x4  }
0x99: {  	[tilespmem:s2], [sflag:$0x5] =	stream.indirect_vreg.gather [hbm4b:s1+s3], $0x80, v2, vm0, $0xb8;
	[tilespmem:$0x1C200] =	vst v63  }
0x9a: {  	s23 =	simm.s32 $0x10A00  }
0x9b: {  	[tilespmem:s23], [sflag:$0x5] =	stream.indirect_vreg.gather [hbm4b:s5+s3], $0x80, v2, vm0, $0xb8;
	[tilespmem:$0x1C200] =	vst v63  }
0x9c: {  	s29 =	simm.s32 $0x11200  }
0x9d: {  	[tilespmem:s29], [sflag:$0x5] =	stream.indirect_vreg.gather [hbm4b:s6+s3], $0x80, v2, vm0, $0xb8;
	[tilespmem:$0x1C200] =	vst v63  }
0x9e: {  	s13 =	simm.s32 $0x11A00  }
0x9f: {  	[tilespmem:s13], [sflag:$0x5] =	stream.indirect_vreg.gather [hbm4b:s7+s3], $0x80, v2, vm0, $0xb8;
	[tilespmem:$0x1C200] =	vst v63  }
0xa0: {  	s18 =	simm.s32 $0x12200  }
0xa1: {  	[tilespmem:s18], [sflag:$0x5] =	stream.indirect_vreg.gather [hbm4b:s8+s3], $0x80, v2, vm0, $0xb8;
	[tilespmem:$0x1C200] =	vst v63  }
0xa2: {  	s22 =	simm.s32 $0x12A00  }
0xa3: {  	[tilespmem:s22], [sflag:$0x5] =	stream.indirect_vreg.gather [hbm4b:s9+s3], $0x80, v2, vm0, $0xb8;
	[tilespmem:$0x1C200] =	vst v63  }
0xa4: {  	s23 =	simm.s32 $0x13200  }
0xa5: {  	[tilespmem:s23], [sflag:$0x5] =	stream.indirect_vreg.gather [hbm4b:s10+s3], $0x80, v2, vm0, $0xb8;
	[tilespmem:$0x1C200] =	vst v63  }
0xa6: {  	s4 =	simm.s32 $0x0;
	s29 =	simm.s32 $0x13A00;
	s18 =	simm.s32 $0x30  }
0xa7: {  	[tilespmem:s29], [sflag:$0x5] =	stream.indirect_vreg.gather [hbm4b:s11+s3], $0x80, v2, vm0, $0xb8;
	[tilespmem:$0x1C200] =	vst v63  }
.LBB2_2:
0xa8: {  	_ =	swait.ge [sflag:s26], $0x4000  }
0xa9: {  	p0 =	seq.s32 s4, $0x0;
	[sflag:s26] =	ssyncset.done $0x0  }
0xaa: {  	s29 =	sadd.s32 s4, s16;
	s13 =	simm.s32 @!p0 $0xD;
	[sflag:s26] =	ssyncadd.s32 $0xFFFFC000  }
0xab: {  	[hbm4b:s29+s3] =	stream.linear.scatter [tilespmem:s20], [sflag:$0x8], $0x4000, $0x38;
	[tilespmem:$0x1C200] =	vst v63  }
0xac: {  	_ =	swait.ge @!p0 [sflag:s13], $0x4000  }
0xad: {  	s22 =	sadd.s32 @!p0 $0xFFFFFFF8, s18;
	[sflag:s13] =	ssyncset.done @!p0 $0x0  }
0xae: {  	s22 =	simm.s32 @p0 $0x28;
	[sflag:s13] =	ssyncadd.s32 @!p0 $0xFFFFC000  }
0xaf: {  	v2 =	vld.msk [tilespmem:s22+$0x0], $0xff;
	_ =	sdelay $0x4  }
0xb0: {  	v3 =	vshll.u32 v2, $0x4  }
0xb1: {  	v2 =	vand.u32 $0x7, v2;
	v3 =	vand.u32 $0xFFFFFF80, v3  }
0xb2: {  	v2 =	vor.u32 v2, v3  }
0xb3: {  	v2 =	vperm.xlane v2, v0;
	_ =	sdelay $0x1  }
0xb4: {  	v2 =	vadd.s32 v1, v2;
	_ =	sdelay $0x4  }
0xb5: {  	[tilespmem:s28], [sflag:$0x6] =	stream.indirect_vreg.gather [hbm4b:s1+s3], $0x80, v2, vm0, $0xb8;
	[tilespmem:$0x1C200] =	vst v63  }
0xb6: {  	s23 =	simm.s32 $0x14A00  }
0xb7: {  	[tilespmem:s23], [sflag:$0x6] =	stream.indirect_vreg.gather [hbm4b:s5+s3], $0x80, v2, vm0, $0xb8;
	[tilespmem:$0x1C200] =	vst v63  }
0xb8: {  	s22 =	simm.s32 $0x15200  }
0xb9: {  	[tilespmem:s22], [sflag:$0x6] =	stream.indirect_vreg.gather [hbm4b:s6+s3], $0x80, v2, vm0, $0xb8;
	[tilespmem:$0x1C200] =	vst v63  }
0xba: {  	s23 =	simm.s32 $0x15A00  }
0xbb: {  	[tilespmem:s23], [sflag:$0x6] =	stream.indirect_vreg.gather [hbm4b:s7+s3], $0x80, v2, vm0, $0xb8;
	[tilespmem:$0x1C200] =	vst v63  }
0xbc: {  	s22 =	simm.s32 $0x16200  }
0xbd: {  	[tilespmem:s22], [sflag:$0x6] =	stream.indirect_vreg.gather [hbm4b:s8+s3], $0x80, v2, vm0, $0xb8;
	[tilespmem:$0x1C200] =	vst v63  }
0xbe: {  	s23 =	simm.s32 $0x16A00  }
0xbf: {  	[tilespmem:s23], [sflag:$0x6] =	stream.indirect_vreg.gather [hbm4b:s9+s3], $0x80, v2, vm0, $0xb8;
	[tilespmem:$0x1C200] =	vst v63  }
0xc0: {  	s22 =	simm.s32 $0x17200  }
0xc1: {  	[tilespmem:s22], [sflag:$0x6] =	stream.indirect_vreg.gather [hbm4b:s10+s3], $0x80, v2, vm0, $0xb8;
	[tilespmem:$0x1C200] =	vst v63  }
0xc2: {  	s23 =	simm.s32 $0x17A00  }
0xc3: {  	[tilespmem:s23], [sflag:$0x6] =	stream.indirect_vreg.gather [hbm4b:s11+s3], $0x80, v2, vm0, $0xb8;
	[tilespmem:$0x1C200] =	vst v63  }
0xc4: {  	_ =	swait.ge [sflag:s0], $0x4000  }
0xc5: {  	s13 =	simm.s32 @!p0 $0xE;
	[sflag:s0] =	ssyncset.done $0x0  }
0xc6: {  	s22 =	sadd.s32 $0x800, s29;
	s23 =	simm.s32 $0x4200;
	[sflag:s0] =	ssyncadd.s32 $0xFFFFC000  }
0xc7: {  	[hbm4b:s22+s3] =	stream.linear.scatter [tilespmem:s23], [sflag:$0x9], $0x4000, $0x38;
	[tilespmem:$0x1C200] =	vst v63  }
0xc8: {  	_ =	swait.ge @!p0 [sflag:s13], $0x4000  }
0xc9: {  	s22 =	smov.u32 s18;
	[sflag:s13] =	ssyncset.done @!p0 $0x0  }
0xca: {  	s22 =	simm.s32 @p0 $0x30;
	[sflag:s13] =	ssyncadd.s32 @!p0 $0xFFFFC000  }
0xcb: {  	v2 =	vld.msk [tilespmem:s22+$0x0], $0xff;
	_ =	sdelay $0x4  }
0xcc: {  	v3 =	vshll.u32 v2, $0x4  }
0xcd: {  	v2 =	vand.u32 $0x7, v2;
	v3 =	vand.u32 $0xFFFFFF80, v3  }
0xce: {  	v2 =	vor.u32 v2, v3  }
0xcf: {  	v2 =	vperm.xlane v2, v0;
	_ =	sdelay $0x1  }
0xd0: {  	v2 =	vadd.s32 v1, v2;
	_ =	sdelay $0x4  }
0xd1: {  	[tilespmem:s12], [sflag:$0x7] =	stream.indirect_vreg.gather [hbm4b:s1+s3], $0x80, v2, vm0, $0xb8;
	[tilespmem:$0x1C200] =	vst v63  }
0xd2: {  	s22 =	simm.s32 $0x18A00  }
0xd3: {  	[tilespmem:s22], [sflag:$0x7] =	stream.indirect_vreg.gather [hbm4b:s5+s3], $0x80, v2, vm0, $0xb8;
	[tilespmem:$0x1C200] =	vst v63  }
0xd4: {  	s22 =	simm.s32 $0x19200  }
0xd5: {  	[tilespmem:s22], [sflag:$0x7] =	stream.indirect_vreg.gather [hbm4b:s6+s3], $0x80, v2, vm0, $0xb8;
	[tilespmem:$0x1C200] =	vst v63  }
0xd6: {  	s22 =	simm.s32 $0x19A00  }
0xd7: {  	[tilespmem:s22], [sflag:$0x7] =	stream.indirect_vreg.gather [hbm4b:s7+s3], $0x80, v2, vm0, $0xb8;
	[tilespmem:$0x1C200] =	vst v63  }
0xd8: {  	s22 =	simm.s32 $0x1A200  }
0xd9: {  	[tilespmem:s22], [sflag:$0x7] =	stream.indirect_vreg.gather [hbm4b:s8+s3], $0x80, v2, vm0, $0xb8;
	[tilespmem:$0x1C200] =	vst v63  }
0xda: {  	s22 =	simm.s32 $0x1AA00  }
0xdb: {  	[tilespmem:s22], [sflag:$0x7] =	stream.indirect_vreg.gather [hbm4b:s9+s3], $0x80, v2, vm0, $0xb8;
	[tilespmem:$0x1C200] =	vst v63  }
0xdc: {  	s22 =	simm.s32 $0x1B200  }
0xdd: {  	[tilespmem:s22], [sflag:$0x7] =	stream.indirect_vreg.gather [hbm4b:s10+s3], $0x80, v2, vm0, $0xb8;
	[tilespmem:$0x1C200] =	vst v63  }
0xde: {  	s22 =	simm.s32 $0x1BA00  }
0xdf: {  	[tilespmem:s22], [sflag:$0x7] =	stream.indirect_vreg.gather [hbm4b:s11+s3], $0x80, v2, vm0, $0xb8;
	[tilespmem:$0x1C200] =	vst v63  }
0xe0: {  	_ =	swait.ge [sflag:s14], $0x4000  }
0xe1: {  	[sflag:s14] =	ssyncset.done $0x0  }
0xe2: {  	s13 =	sadd.s32 $0x1000, s29;
	s22 =	simm.s32 $0x8200;
	[sflag:s14] =	ssyncadd.s32 $0xFFFFC000  }
0xe3: {  	[hbm4b:s13+s3] =	stream.linear.scatter [tilespmem:s22], [sflag:$0xA], $0x4000, $0x38;
	[tilespmem:$0x1C200] =	vst v63  }
0xe4: {  	_ =	swait.ge [sflag:s15], $0x4000  }
0xe5: {  	[sflag:s15] =	ssyncset.done $0x0  }
0xe6: {  	[sflag:s15] =	ssyncadd.s32 $0xFFFFC000  }
0xe7: {  	v2 =	vld.msk [tilespmem:s18+$0x8], $0xff;
	_ =	sdelay $0x4  }
0xe8: {  	v3 =	vshll.u32 v2, $0x4  }
0xe9: {  	v2 =	vand.u32 $0x7, v2;
	v3 =	vand.u32 $0xFFFFFF80, v3  }
0xea: {  	v2 =	vor.u32 v2, v3  }
0xeb: {  	v2 =	vperm.xlane v2, v0;
	_ =	sdelay $0x1  }
0xec: {  	v2 =	vadd.s32 v1, v2;
	_ =	sdelay $0x4  }
0xed: {  	[tilespmem:s20], [sflag:$0x1] =	stream.indirect_vreg.gather [hbm4b:s1+s3], $0x80, v2, vm0, $0xb8;
	[tilespmem:$0x1C200] =	vst v63  }
0xee: {  	s13 =	simm.s32 $0xA00  }
0xef: {  	[tilespmem:s13], [sflag:$0x1] =	stream.indirect_vreg.gather [hbm4b:s5+s3], $0x80, v2, vm0, $0xb8;
	[tilespmem:$0x1C200] =	vst v63  }
0xf0: {  	s13 =	simm.s32 $0x1200  }
0xf1: {  	[tilespmem:s13], [sflag:$0x1] =	stream.indirect_vreg.gather [hbm4b:s6+s3], $0x80, v2, vm0, $0xb8;
	[tilespmem:$0x1C200] =	vst v63  }
0xf2: {  	s13 =	simm.s32 $0x1A00  }
0xf3: {  	[tilespmem:s13], [sflag:$0x1] =	stream.indirect_vreg.gather [hbm4b:s7+s3], $0x80, v2, vm0, $0xb8;
	[tilespmem:$0x1C200] =	vst v63  }
0xf4: {  	s13 =	simm.s32 $0x2200  }
0xf5: {  	[tilespmem:s13], [sflag:$0x1] =	stream.indirect_vreg.gather [hbm4b:s8+s3], $0x80, v2, vm0, $0xb8;
	[tilespmem:$0x1C200] =	vst v63  }
0xf6: {  	s13 =	simm.s32 $0x2A00  }
0xf7: {  	[tilespmem:s13], [sflag:$0x1] =	stream.indirect_vreg.gather [hbm4b:s9+s3], $0x80, v2, vm0, $0xb8;
	[tilespmem:$0x1C200] =	vst v63  }
0xf8: {  	s13 =	simm.s32 $0x3200  }
0xf9: {  	[tilespmem:s13], [sflag:$0x1] =	stream.indirect_vreg.gather [hbm4b:s10+s3], $0x80, v2, vm0, $0xb8;
	[tilespmem:$0x1C200] =	vst v63  }
0xfa: {  	p0 =	seq.s32 s4, $0x1C000;
	s13 =	simm.s32 $0x3A00  }
0xfb: {  	[tilespmem:s13], [sflag:$0x1] =	stream.indirect_vreg.gather [hbm4b:s11+s3], $0x80, v2, vm0, $0xb8;
	[tilespmem:$0x1C200] =	vst v63  }
.Ltmp2:
0xfc: {  	_ = 	snop;
	(pc) =	sbr.rel @!p0 .LBB2_3-.Ltmp2, $4  }
0xfd: {  	_ =	swait.ge [sflag:s19], $0x4000  }
0xfe: {  	[sflag:s19] =	ssyncset.done $0x0  }
0xff: {  	s13 =	sadd.s32 $0x1800, s29;
	[sflag:s19] =	ssyncadd.s32 $0xFFFFC000  }
0x100: {  	[hbm4b:s13+s3] =	stream.linear.scatter [tilespmem:s17], [sflag:$0xB], $0x4000, $0x38;
	[tilespmem:$0x1C200] =	vst v63  }
.Ltmp3:
0x101: {  	(pc) =	sbr.rel .LBB2_5-.Ltmp3, $4  }
0x102: {  	_ =	swait.ge [sflag:s30], $0x4000  }
0x103: {  	[sflag:s30] =	ssyncset.done $0x0  }
0x104: {  	s13 =	rddreg [dreg:$0x5];
	[sflag:s30] =	ssyncadd.s32 $0xFFFFC000  }
0x105: {  	[hbm4b:s13+s3] =	stream.linear.scatter [tilespmem:s2], [sflag:$0xC], $0x4000, $0x38;
	[tilespmem:$0x1C200] =	vst v63  }
.LBB2_3:
0x106: {  	s13 =	simm.s32 $0x9  }
0x107: {  	_ =	swait.ge [sflag:s13], $0x4000  }
0x108: {  	[sflag:s13] =	ssyncset.done $0x0  }
0x109: {  	[sflag:s13] =	ssyncadd.s32 $0xFFFFC000  }
0x10a: {  	v2 =	vld.msk [tilespmem:s18+$0x10], $0xff;
	_ =	sdelay $0x4  }
0x10b: {  	v3 =	vshll.u32 v2, $0x4  }
0x10c: {  	v2 =	vand.u32 $0x7, v2;
	v3 =	vand.u32 $0xFFFFFF80, v3  }
0x10d: {  	v2 =	vor.u32 v2, v3  }
0x10e: {  	v2 =	vperm.xlane v2, v0;
	_ =	sdelay $0x1  }
0x10f: {  	v2 =	vadd.s32 v1, v2;
	_ =	sdelay $0x4  }
0x110: {  	[tilespmem:s23], [sflag:$0x2] =	stream.indirect_vreg.gather [hbm4b:s1+s3], $0x80, v2, vm0, $0xb8;
	[tilespmem:$0x1C200] =	vst v63  }
0x111: {  	s23 =	simm.s32 $0x4A00  }
0x112: {  	[tilespmem:s23], [sflag:$0x2] =	stream.indirect_vreg.gather [hbm4b:s5+s3], $0x80, v2, vm0, $0xb8;
	[tilespmem:$0x1C200] =	vst v63  }
0x113: {  	s23 =	simm.s32 $0x5200  }
0x114: {  	[tilespmem:s23], [sflag:$0x2] =	stream.indirect_vreg.gather [hbm4b:s6+s3], $0x80, v2, vm0, $0xb8;
	[tilespmem:$0x1C200] =	vst v63  }
0x115: {  	s23 =	simm.s32 $0x5A00  }
0x116: {  	[tilespmem:s23], [sflag:$0x2] =	stream.indirect_vreg.gather [hbm4b:s7+s3], $0x80, v2, vm0, $0xb8;
	[tilespmem:$0x1C200] =	vst v63  }
0x117: {  	s23 =	simm.s32 $0x6200  }
0x118: {  	[tilespmem:s23], [sflag:$0x2] =	stream.indirect_vreg.gather [hbm4b:s8+s3], $0x80, v2, vm0, $0xb8;
	[tilespmem:$0x1C200] =	vst v63  }
0x119: {  	s23 =	simm.s32 $0x6A00  }
0x11a: {  	[tilespmem:s23], [sflag:$0x2] =	stream.indirect_vreg.gather [hbm4b:s9+s3], $0x80, v2, vm0, $0xb8;
	[tilespmem:$0x1C200] =	vst v63  }
0x11b: {  	s23 =	simm.s32 $0x7200  }
0x11c: {  	[tilespmem:s23], [sflag:$0x2] =	stream.indirect_vreg.gather [hbm4b:s10+s3], $0x80, v2, vm0, $0xb8;
	[tilespmem:$0x1C200] =	vst v63  }
0x11d: {  	s23 =	simm.s32 $0x7A00  }
0x11e: {  	[tilespmem:s23], [sflag:$0x2] =	stream.indirect_vreg.gather [hbm4b:s11+s3], $0x80, v2, vm0, $0xb8;
	[tilespmem:$0x1C200] =	vst v63  }
0x11f: {  	_ =	swait.ge [sflag:s30], $0x4000  }
0x120: {  	[sflag:s30] =	ssyncset.done $0x0  }
0x121: {  	s23 =	sadd.s32 $0x2000, s29;
	[sflag:s30] =	ssyncadd.s32 $0xFFFFC000  }
0x122: {  	[hbm4b:s23+s3] =	stream.linear.scatter [tilespmem:s2], [sflag:$0xC], $0x4000, $0x38;
	[tilespmem:$0x1C200] =	vst v63  }
0x123: {  	s23 =	simm.s32 $0xA  }
0x124: {  	_ =	swait.ge [sflag:s23], $0x4000  }
0x125: {  	[sflag:s23] =	ssyncset.done $0x0  }
0x126: {  	[sflag:s23] =	ssyncadd.s32 $0xFFFFC000  }
0x127: {  	v2 =	vld.msk [tilespmem:s18+$0x18], $0xff;
	_ =	sdelay $0x4  }
0x128: {  	v3 =	vshll.u32 v2, $0x4  }
0x129: {  	v2 =	vand.u32 $0x7, v2;
	v3 =	vand.u32 $0xFFFFFF80, v3  }
0x12a: {  	v2 =	vor.u32 v2, v3  }
0x12b: {  	v2 =	vperm.xlane v2, v0;
	_ =	sdelay $0x1  }
0x12c: {  	v2 =	vadd.s32 v1, v2;
	_ =	sdelay $0x4  }
0x12d: {  	[tilespmem:s22], [sflag:$0x3] =	stream.indirect_vreg.gather [hbm4b:s1+s3], $0x80, v2, vm0, $0xb8;
	[tilespmem:$0x1C200] =	vst v63  }
0x12e: {  	s23 =	simm.s32 $0x8A00  }
0x12f: {  	[tilespmem:s23], [sflag:$0x3] =	stream.indirect_vreg.gather [hbm4b:s5+s3], $0x80, v2, vm0, $0xb8;
	[tilespmem:$0x1C200] =	vst v63  }
0x130: {  	s22 =	simm.s32 $0x9200  }
0x131: {  	[tilespmem:s22], [sflag:$0x3] =	stream.indirect_vreg.gather [hbm4b:s6+s3], $0x80, v2, vm0, $0xb8;
	[tilespmem:$0x1C200] =	vst v63  }
0x132: {  	s23 =	simm.s32 $0x9A00  }
0x133: {  	[tilespmem:s23], [sflag:$0x3] =	stream.indirect_vreg.gather [hbm4b:s7+s3], $0x80, v2, vm0, $0xb8;
	[tilespmem:$0x1C200] =	vst v63  }
0x134: {  	s22 =	simm.s32 $0xA200  }
0x135: {  	[tilespmem:s22], [sflag:$0x3] =	stream.indirect_vreg.gather [hbm4b:s8+s3], $0x80, v2, vm0, $0xb8;
	[tilespmem:$0x1C200] =	vst v63  }
0x136: {  	s23 =	simm.s32 $0xAA00  }
0x137: {  	[tilespmem:s23], [sflag:$0x3] =	stream.indirect_vreg.gather [hbm4b:s9+s3], $0x80, v2, vm0, $0xb8;
	[tilespmem:$0x1C200] =	vst v63  }
0x138: {  	s22 =	simm.s32 $0xB200  }
0x139: {  	[tilespmem:s22], [sflag:$0x3] =	stream.indirect_vreg.gather [hbm4b:s10+s3], $0x80, v2, vm0, $0xb8;
	[tilespmem:$0x1C200] =	vst v63  }
0x13a: {  	s23 =	simm.s32 $0xBA00  }
0x13b: {  	[tilespmem:s23], [sflag:$0x3] =	stream.indirect_vreg.gather [hbm4b:s11+s3], $0x80, v2, vm0, $0xb8;
	[tilespmem:$0x1C200] =	vst v63  }
.LBB2_5:
.Ltmp4:
0x13c: {  	(pc) =	sbr.rel @p0 .LBB2_7-.Ltmp4, $4  }
0x13d: {  	_ =	swait.ge [sflag:s31], $0x4000  }
0x13e: {  	[sflag:s31] =	ssyncset.done $0x0  }
0x13f: {  	s13 =	sadd.s32 $0x2800, s29;
	[sflag:s31] =	ssyncadd.s32 $0xFFFFC000  }
0x140: {  	[hbm4b:s13+s3] =	stream.linear.scatter [tilespmem:s28], [sflag:$0xD], $0x4000, $0x38;
	[tilespmem:$0x1C200] =	vst v63  }
0x141: {  	_ =	swait.ge [sflag:s24], $0x4000  }
0x142: {  	[sflag:s24] =	ssyncset.done $0x0  }
0x143: {  	[sflag:s24] =	ssyncadd.s32 $0xFFFFC000  }
0x144: {  	v2 =	vld.msk [tilespmem:s18+$0x20], $0xff;
	_ =	sdelay $0x4  }
0x145: {  	v3 =	vshll.u32 v2, $0x4  }
0x146: {  	v2 =	vand.u32 $0x7, v2;
	v3 =	vand.u32 $0xFFFFFF80, v3  }
0x147: {  	v2 =	vor.u32 v2, v3  }
0x148: {  	v2 =	vperm.xlane v2, v0;
	_ =	sdelay $0x1  }
0x149: {  	v2 =	vadd.s32 v1, v2;
	_ =	sdelay $0x4  }
0x14a: {  	[tilespmem:s17], [sflag:$0x4] =	stream.indirect_vreg.gather [hbm4b:s1+s3], $0x80, v2, vm0, $0xb8;
	[tilespmem:$0x1C200] =	vst v63  }
0x14b: {  	s13 =	simm.s32 $0xCA00  }
0x14c: {  	[tilespmem:s13], [sflag:$0x4] =	stream.indirect_vreg.gather [hbm4b:s5+s3], $0x80, v2, vm0, $0xb8;
	[tilespmem:$0x1C200] =	vst v63  }
0x14d: {  	s23 =	simm.s32 $0xD200  }
0x14e: {  	[tilespmem:s23], [sflag:$0x4] =	stream.indirect_vreg.gather [hbm4b:s6+s3], $0x80, v2, vm0, $0xb8;
	[tilespmem:$0x1C200] =	vst v63  }
0x14f: {  	s22 =	simm.s32 $0xDA00  }
0x150: {  	[tilespmem:s22], [sflag:$0x4] =	stream.indirect_vreg.gather [hbm4b:s7+s3], $0x80, v2, vm0, $0xb8;
	[tilespmem:$0x1C200] =	vst v63  }
0x151: {  	s23 =	simm.s32 $0xE200  }
0x152: {  	[tilespmem:s23], [sflag:$0x4] =	stream.indirect_vreg.gather [hbm4b:s8+s3], $0x80, v2, vm0, $0xb8;
	[tilespmem:$0x1C200] =	vst v63  }
0x153: {  	s22 =	simm.s32 $0xEA00  }
0x154: {  	[tilespmem:s22], [sflag:$0x4] =	stream.indirect_vreg.gather [hbm4b:s9+s3], $0x80, v2, vm0, $0xb8;
	[tilespmem:$0x1C200] =	vst v63  }
0x155: {  	s23 =	simm.s32 $0xF200  }
0x156: {  	[tilespmem:s23], [sflag:$0x4] =	stream.indirect_vreg.gather [hbm4b:s10+s3], $0x80, v2, vm0, $0xb8;
	[tilespmem:$0x1C200] =	vst v63  }
0x157: {  	s22 =	simm.s32 $0xFA00  }
0x158: {  	[tilespmem:s22], [sflag:$0x4] =	stream.indirect_vreg.gather [hbm4b:s11+s3], $0x80, v2, vm0, $0xb8;
	[tilespmem:$0x1C200] =	vst v63  }
0x159: {  	_ =	swait.ge [sflag:s21], $0x4000  }
0x15a: {  	[sflag:s21] =	ssyncset.done $0x0  }
0x15b: {  	s23 =	sadd.s32 $0x3000, s29;
	[sflag:s21] =	ssyncadd.s32 $0xFFFFC000  }
0x15c: {  	[hbm4b:s23+s3] =	stream.linear.scatter [tilespmem:s12], [sflag:$0xE], $0x4000, $0x38;
	[tilespmem:$0x1C200] =	vst v63  }
0x15d: {  	_ =	swait.ge [sflag:s25], $0x4000  }
0x15e: {  	[sflag:s25] =	ssyncset.done $0x0  }
0x15f: {  	[sflag:s25] =	ssyncadd.s32 $0xFFFFC000  }
0x160: {  	v2 =	vld.msk [tilespmem:s18+$0x28], $0xff;
	_ =	sdelay $0x4  }
0x161: {  	v3 =	vshll.u32 v2, $0x4  }
0x162: {  	v2 =	vand.u32 $0x7, v2;
	v3 =	vand.u32 $0xFFFFFF80, v3  }
0x163: {  	v2 =	vor.u32 v2, v3  }
0x164: {  	v2 =	vperm.xlane v2, v0;
	_ =	sdelay $0x1  }
0x165: {  	v2 =	vadd.s32 v1, v2;
	_ =	sdelay $0x4  }
0x166: {  	[tilespmem:s2], [sflag:$0x5] =	stream.indirect_vreg.gather [hbm4b:s1+s3], $0x80, v2, vm0, $0xb8;
	[tilespmem:$0x1C200] =	vst v63  }
0x167: {  	s29 =	simm.s32 $0x10A00  }
0x168: {  	[tilespmem:s29], [sflag:$0x5] =	stream.indirect_vreg.gather [hbm4b:s5+s3], $0x80, v2, vm0, $0xb8;
	[tilespmem:$0x1C200] =	vst v63  }
0x169: {  	s22 =	simm.s32 $0x11200  }
0x16a: {  	[tilespmem:s22], [sflag:$0x5] =	stream.indirect_vreg.gather [hbm4b:s6+s3], $0x80, v2, vm0, $0xb8;
	[tilespmem:$0x1C200] =	vst v63  }
0x16b: {  	s23 =	simm.s32 $0x11A00  }
0x16c: {  	[tilespmem:s23], [sflag:$0x5] =	stream.indirect_vreg.gather [hbm4b:s7+s3], $0x80, v2, vm0, $0xb8;
	[tilespmem:$0x1C200] =	vst v63  }
0x16d: {  	s29 =	simm.s32 $0x12200  }
0x16e: {  	[tilespmem:s29], [sflag:$0x5] =	stream.indirect_vreg.gather [hbm4b:s8+s3], $0x80, v2, vm0, $0xb8;
	[tilespmem:$0x1C200] =	vst v63  }
0x16f: {  	s22 =	simm.s32 $0x12A00  }
0x170: {  	[tilespmem:s22], [sflag:$0x5] =	stream.indirect_vreg.gather [hbm4b:s9+s3], $0x80, v2, vm0, $0xb8;
	[tilespmem:$0x1C200] =	vst v63  }
.Ltmp5:
0x171: {  	_ = 	snop;
	(pc) =	sbr.rel .LBB2_2-.Ltmp5, $4  }
0x172: {  	s23 =	simm.s32 $0x13200  }
0x173: {  	[tilespmem:s23], [sflag:$0x5] =	stream.indirect_vreg.gather [hbm4b:s10+s3], $0x80, v2, vm0, $0xb8;
	[tilespmem:$0x1C200] =	vst v63  }
0x174: {  	s4 =	sadd.s32 $0x3800, s4;
	s18 =	sadd.s32 $0x38, s18;
	s29 =	simm.s32 $0x13A00  }
0x175: {  	[tilespmem:s29], [sflag:$0x5] =	stream.indirect_vreg.gather [hbm4b:s11+s3], $0x80, v2, vm0, $0xb8;
	[tilespmem:$0x1C200] =	vst v63  }
.LBB2_8:
0x176: {  	_ =	sfence.sel $0x180000  }
0x177: {  	[bflag:$0x0] =	sbarrier.arrive $0xFFFF  }
0x178: {  	_ =	strace $0x90000047  }
0x179: {  	s0 =	stileid.u32;
	[bflag:$0x2] =	sbarrier.arrive $0xFFFF  }
0x17a: {  	p0 =	sne.s32 s0, $0x0;
	s0 =	rddreg [dreg:$0x3]  }
0x17b: {  	s0 =	sadd.s32 @!p0 $0x100000, s0  }
0x17c: {  	[sflag:s0] =	ssyncadd.tile.s32 @!p0 $0x1;
	_ =	shalt  }
.Lfunc_end2:
_tile_overlayer_lowered:
.L_overlay_start_2:
0x17d: {  	(tag) =	ssettag $0x2  }
0x17e: {  	s0 =	rddreg [dreg:$0x0];
	s2 =	stileid.u32  }
0x17f: {  	s1 =	rddreg [dreg:$0x1];
	p0 =	sne.s32 s2, $0x0  }
0x180: {  	s3 =	rddreg [dreg:$0x2];
	[bflag:$0x3] =	sbarrier.arrive $0xFFFF;
	s2 =	simm.s32 @!p0 $0x1C0F  }
0x181: {  	[timem:s3], [sflag:s2] =	dma.local @!p0 [hbm:s0], s1  }
0x182: {  	s0 =	simm.s32 @!p0 $0xF  }
0x183: {  	_ =	swait.ge @!p0 [sflag:s0], s1  }
0x184: {  	s1 =	ssub.s32 @!p0 $0x0, s1;
	[sflag:s0] =	ssyncset.done @!p0 $0x0  }
0x185: {  	[sflag:s0] =	ssyncadd.s32 @!p0 s1  }
0x186: {  	[bflag:$0x3] =	sbarrier.arrive $0xFFFF  }
0x187: {  	_ =	shalt  }

</sc_bundles>
